<compile_context>
chip_gen: v7x
topology: tpu7x:2x2x1
jax: 0.10.2.dev20260603
libtpu: 0.0.44.dev20260713+nightly
codegen_flags: <defaults>
</compile_context>

<pallas_src>
import jax
import jax.numpy as jnp
from jax import lax
from jax.experimental import pallas as pl
from jax.experimental.pallas import tpu as pltpu
from jax.experimental.pallas import tpu_sc as plsc

IN_FEATURES = 16
OUT_FEATURES = 16
NUM_KNOTS = 10
NUM_SEG = NUM_KNOTS - 1
DEGREE = 3
BATCH = 16384

NUM_CORES = 2
NUM_SUBCORES = 16
LANES = 16
NUM_WORKERS = NUM_CORES * NUM_SUBCORES
ROWS_PER_W = BATCH // NUM_WORKERS
TABLE_SIZE = IN_FEATURES * NUM_SEG * (DEGREE + 1) * OUT_FEATURES


_GATHER_DNUMS = lax.GatherDimensionNumbers(
    offset_dims=(), collapsed_slice_dims=(0,), start_index_map=(0,))


def _lane_bcast(v, i):
    idx = jnp.full((LANES, 1), i, jnp.int32)
    return lax.gather(v, idx, _GATHER_DNUMS, slice_sizes=(1,),
                      mode=lax.GatherScatterMode.PROMISE_IN_BOUNDS)


def _kan_body(x_hbm, tab_hbm, sc_hbm, out_hbm, xo_v, tab_v, sc_v, sem):
    cid = lax.axis_index("c")
    sid = lax.axis_index("s")
    wid = sid * NUM_CORES + cid
    row0 = wid * ROWS_PER_W
    cp1 = pltpu.async_copy(x_hbm.at[pl.ds(row0, ROWS_PER_W), :], xo_v, sem)
    cp2 = pltpu.async_copy(tab_hbm, tab_v, sem)
    cp3 = pltpu.async_copy(sc_hbm, sc_v, sem)
    cp1.wait()
    cp2.wait()
    cp3.wait()

    iota = lax.iota(jnp.int32, LANES)
    scale_vec = sc_v[...]
    iotad = [iota + LANES * d for d in range(DEGREE + 1)]
    addr_base = iota * (NUM_SEG * (DEGREE + 1) * LANES)

    @plsc.parallel_loop(0, ROWS_PER_W, step=1, unroll=8)
    def row(r):
        xc = jnp.clip(xo_v[r], -1.0, 1.0)
        y = (xc + 1.0) * (NUM_SEG / 2.0)
        seg = jnp.minimum(y.astype(jnp.int32), NUM_SEG - 1)
        t = y - seg.astype(jnp.float32)
        addr = addr_base + seg * ((DEGREE + 1) * LANES)
        acc = jnp.zeros((LANES,), jnp.float32)
        for i in range(IN_FEATURES):
            tb = _lane_bcast(t, i)
            ab = _lane_bcast(addr, i)
            c0 = plsc.load_gather(tab_v, [ab + iotad[0]])
            c1 = plsc.load_gather(tab_v, [ab + iotad[1]])
            c2 = plsc.load_gather(tab_v, [ab + iotad[2]])
            c3 = plsc.load_gather(tab_v, [ab + iotad[3]])
            acc = acc + (((c3 * tb + c2) * tb + c1) * tb + c0)
        xo_v[r] = acc * scale_vec

    pltpu.sync_copy(xo_v, out_hbm.at[pl.ds(row0, ROWS_PER_W), :])


@jax.jit
def kernel(x, coeffs, scale, knots):
    table = jnp.transpose(coeffs, (1, 2, 3, 0)).reshape(-1)
    mesh = plsc.VectorSubcoreMesh(core_axis_name="c", subcore_axis_name="s")
    run = pl.kernel(
        _kan_body,
        out_type=jax.ShapeDtypeStruct((BATCH, OUT_FEATURES), jnp.float32),
        mesh=mesh,
        compiler_params=pltpu.CompilerParams(needs_layout_passes=False),
        scratch_types=[
            pltpu.VMEM((ROWS_PER_W, IN_FEATURES), jnp.float32),
            pltpu.VMEM((TABLE_SIZE,), jnp.float32),
            pltpu.VMEM((LANES,), jnp.float32),
            pltpu.SemaphoreType.DMA,
        ],
    )
    return run(x, table, scale)

# --- scband reference (transcript-rebuilt; emitter-appended) ---
"""Pipeline reference for scband-kanlayer-5239860101393 (READ-ONLY COPY).

The authoritative reference and input builder live on the scoring server;
editing this copy changes nothing except your own understanding.
"""

import jax, jax.numpy as jnp
import numpy as np

IN_FEATURES = 16
OUT_FEATURES = 16
NUM_KNOTS = 10
DEGREE = 3
BATCH = 16384


def setup_inputs(seed: int = 0) -> dict:
    key = jax.random.key(seed)
    k1, k2 = jax.random.split(key)
    x = jax.random.normal(k1, (BATCH, IN_FEATURES), dtype=jnp.float32)
    # learned params: per-edge spline coefficients [out, in, num_knots-1, degree+1]
    coeffs = jax.random.normal(k2, (OUT_FEATURES, IN_FEATURES, NUM_KNOTS - 1, DEGREE + 1), dtype=jnp.float32) * 0.1
    scale = jnp.ones((OUT_FEATURES,), dtype=jnp.float32)
    # fixed knot buffer (registered buffer in torch, not a parameter)
    knots = jnp.linspace(-1.0, 1.0, NUM_KNOTS, dtype=jnp.float32)
    return {"x": x, "coeffs": coeffs, "scale": scale, "knots": knots}


def reference(x, coeffs, scale, knots):
    # clamp inputs to knot range
    xc = jnp.clip(x, -1.0, 1.0)
    # bin each value into its spline segment (histogram-style binning)
    seg = jnp.searchsorted(knots[1:], xc)            # [B, in]
    seg = jnp.clip(seg, 0, NUM_KNOTS - 2)
    left = knots[seg]
    right = knots[seg + 1]
    t = (xc - left) / (right - left)                 # [B, in]
    # gather coefficients: c[b,i,j,d] = coeffs[j,i,seg[b,i],d]
    coeffs_t = jnp.transpose(coeffs, (1, 2, 0, 3))   # [in, K-1, out, D+1]
    c = coeffs_t[jnp.arange(IN_FEATURES)[None, :], seg]  # [B, in, out, D+1]
    powers = t[..., None] ** jnp.arange(DEGREE + 1)  # [B, in, D+1]  (t**0 == 1)
    # output[b,j] = sum_i sum_d c[b,i,j,d] * t[b,i]**d
    out = jnp.einsum('biod,bid->bo', c, powers)      # [B, out]
    return out * scale[None, :]

if __name__ == "__main__":
    import jax
    _d = setup_inputs()
    print(jax.jit(kernel)(*tuple(_d.values())))

</pallas_src>

<mosaic_0001>
#map = affine_map<(d0, d1) -> (0, 0)>
#map1 = affine_map<(d0, d1) -> (0)>
module attributes {stable_mosaic.version = 14 : i64} {
  func.func @_kan_body(%arg0: i32, %arg1: i32, %arg2: memref<16384x16xf32, #tpu.memory_space<hbm>>, %arg3: memref<9216xf32, #tpu.memory_space<hbm>>, %arg4: memref<16xf32, #tpu.memory_space<hbm>>, %arg5: memref<16384x16xf32, #tpu.memory_space<hbm>>, %arg6: memref<512x16xf32, #tpu.memory_space<vmem>>, %arg7: memref<9216xf32, #tpu.memory_space<vmem>>, %arg8: memref<16xf32, #tpu.memory_space<vmem>>, %arg9: memref<!tpu.dma_semaphore, #tpu.memory_space<semaphore_mem>>) attributes {dimension_semantics = [#tpu.dimension_semantics<core_parallel>, #tpu.dimension_semantics<subcore_parallel>], iteration_bounds = array<i64: 2, 16>, scalar_prefetch = 0 : i64, scratch_operands = 4 : i64, tpu.core_type = #tpu.core_type<sc_vector_subcore>, window_params = [{transform_indices = #map}, {transform_indices = #map1}, {transform_indices = #map1}, {transform_indices = #map}]} {
    %mul3A = arith.constant 2 : i32
    %mul3A_0 = arith.muli %arg1, %mul3A : i32
    %add3A = arith.addi %mul3A_0, %arg0 : i32
    %mul3A_1 = arith.constant 512 : i32
    %mul3A_2 = arith.muli %add3A, %mul3A_1 : i32
    %dma_start3A = arith.constant 0 : i32
    %dma_start3A_3 = tpu.memref_slice %arg2[%mul3A_2, %dma_start3A] : memref<16384x16xf32, #tpu.memory_space<hbm>> -> memref<512x16xf32, #tpu.memory_space<hbm>>
    %dma_start3A_4 = arith.constant 0 : i32
    %dma_start3A_5 = tpu.memref_slice %arg2[%mul3A_2, %dma_start3A_4] : memref<16384x16xf32, #tpu.memory_space<hbm>> -> memref<512x16xf32, #tpu.memory_space<hbm>>
    tpu.enqueue_dma source(%dma_start3A_5 : memref<512x16xf32, #tpu.memory_space<hbm>>) target(%arg6 : memref<512x16xf32, #tpu.memory_space<vmem>>) target_semaphore(%arg9 : memref<!tpu.dma_semaphore, #tpu.memory_space<semaphore_mem>>)
    tpu.enqueue_dma source(%arg3 : memref<9216xf32, #tpu.memory_space<hbm>>) target(%arg7 : memref<9216xf32, #tpu.memory_space<vmem>>) target_semaphore(%arg9 : memref<!tpu.dma_semaphore, #tpu.memory_space<semaphore_mem>>)
    tpu.enqueue_dma source(%arg4 : memref<16xf32, #tpu.memory_space<hbm>>) target(%arg8 : memref<16xf32, #tpu.memory_space<vmem>>) target_semaphore(%arg9 : memref<!tpu.dma_semaphore, #tpu.memory_space<semaphore_mem>>)
    %dma_wait3A = arith.constant 0 : i32
    %dma_wait3A_6 = tpu.memref_slice %arg2[%mul3A_2, %dma_wait3A] : memref<16384x16xf32, #tpu.memory_space<hbm>> -> memref<512x16xf32, #tpu.memory_space<hbm>>
    %dma_wait3A_7 = arith.constant 0 : i32
    %dma_wait3A_8 = tpu.memref_slice %arg2[%mul3A_2, %dma_wait3A_7] : memref<16384x16xf32, #tpu.memory_space<hbm>> -> memref<512x16xf32, #tpu.memory_space<hbm>>
    tpu.wait_dma2 semaphore(%arg9 : memref<!tpu.dma_semaphore, #tpu.memory_space<semaphore_mem>>) src(%dma_wait3A_8 : memref<512x16xf32, #tpu.memory_space<hbm>>) dst(%arg6 : memref<512x16xf32, #tpu.memory_space<vmem>>)
    tpu.wait_dma2 semaphore(%arg9 : memref<!tpu.dma_semaphore, #tpu.memory_space<semaphore_mem>>) src(%arg3 : memref<9216xf32, #tpu.memory_space<hbm>>) dst(%arg7 : memref<9216xf32, #tpu.memory_space<vmem>>)
    tpu.wait_dma2 semaphore(%arg9 : memref<!tpu.dma_semaphore, #tpu.memory_space<semaphore_mem>>) src(%arg4 : memref<16xf32, #tpu.memory_space<hbm>>) dst(%arg8 : memref<16xf32, #tpu.memory_space<vmem>>)
    %iota3A = tpu.iota {dimensions = array<i32: 0>} : vector<16xi32>
    %get3A = arith.constant 0 : index
    %get3A_9 = tpu.vector_load %arg8[%get3A] {strides = array<i32>} : memref<16xf32, #tpu.memory_space<vmem>>, vector<16xf32>,
    %add3A_10 = arith.constant 0 : i32
    %add3A_11 = vector.broadcast %add3A_10 : i32 to vector<16xi32>
    %add3A_12 = arith.addi %iota3A, %add3A_11 : vector<16xi32>
    %add3A_13 = arith.constant 16 : i32
    %add3A_14 = vector.broadcast %add3A_13 : i32 to vector<16xi32>
    %add3A_15 = arith.addi %iota3A, %add3A_14 : vector<16xi32>
    %add3A_16 = arith.constant 32 : i32
    %add3A_17 = vector.broadcast %add3A_16 : i32 to vector<16xi32>
    %add3A_18 = arith.addi %iota3A, %add3A_17 : vector<16xi32>
    %add3A_19 = arith.constant 48 : i32
    %add3A_20 = vector.broadcast %add3A_19 : i32 to vector<16xi32>
    %add3A_21 = arith.addi %iota3A, %add3A_20 : vector<16xi32>
    %mul3A_22 = arith.constant 576 : i32
    %mul3A_23 = vector.broadcast %mul3A_22 : i32 to vector<16xi32>
    %mul3A_24 = arith.muli %iota3A, %mul3A_23 : vector<16xi32>
    %parallel_loop3A = arith.constant 0 : i32
    %parallel_loop3A_25 = arith.constant 512 : i32
    %parallel_loop3A_26 = arith.constant 1 : i32
    scf.for %parallel_loop3A_27 = %parallel_loop3A to %parallel_loop3A_25 step %parallel_loop3A_26  : i32 {
      %parallel_loop3A_28 = arith.index_cast %parallel_loop3A_27 : i32 to index
      %parallel_loop3A_29 = arith.constant 0 : index
      %parallel_loop3A_30 = tpu.vector_load %arg6[%parallel_loop3A_28, %parallel_loop3A_29] {strides = array<i32>} : memref<512x16xf32, #tpu.memory_space<vmem>>, vector<16xf32>,
      %parallel_loop3A_31 = arith.constant -1.000000e+00 : f32
      %parallel_loop3A_32 = arith.constant 1.000000e+00 : f32
      %parallel_loop3A_33 = vector.broadcast %parallel_loop3A_31 : f32 to vector<16xf32>
      %parallel_loop3A_34 = arith.maximumf %parallel_loop3A_33, %parallel_loop3A_30 : vector<16xf32>
      %parallel_loop3A_35 = vector.broadcast %parallel_loop3A_32 : f32 to vector<16xf32>
      %parallel_loop3A_36 = arith.minimumf %parallel_loop3A_35, %parallel_loop3A_34 : vector<16xf32>
      %parallel_loop3A_37 = arith.constant 1.000000e+00 : f32
      %parallel_loop3A_38 = vector.broadcast %parallel_loop3A_37 : f32 to vector<16xf32>
      %parallel_loop3A_39 = arith.addf %parallel_loop3A_36, %parallel_loop3A_38 : vector<16xf32>
      %parallel_loop3A_40 = arith.constant 4.500000e+00 : f32
      %parallel_loop3A_41 = vector.broadcast %parallel_loop3A_40 : f32 to vector<16xf32>
      %parallel_loop3A_42 = arith.mulf %parallel_loop3A_39, %parallel_loop3A_41 : vector<16xf32>
      %parallel_loop3A_43 = arith.fptosi %parallel_loop3A_42 : vector<16xf32> to vector<16xi32>
      %parallel_loop3A_44 = arith.constant 8 : i32
      %parallel_loop3A_45 = vector.broadcast %parallel_loop3A_44 : i32 to vector<16xi32>
      %parallel_loop3A_46 = arith.minsi %parallel_loop3A_43, %parallel_loop3A_45 : vector<16xi32>
      %parallel_loop3A_47 = arith.sitofp %parallel_loop3A_46 : vector<16xi32> to vector<16xf32>
      %parallel_loop3A_48 = arith.subf %parallel_loop3A_42, %parallel_loop3A_47 : vector<16xf32>
      %parallel_loop3A_49 = arith.constant 64 : i32
      %parallel_loop3A_50 = vector.broadcast %parallel_loop3A_49 : i32 to vector<16xi32>
      %parallel_loop3A_51 = arith.muli %parallel_loop3A_46, %parallel_loop3A_50 : vector<16xi32>
      %parallel_loop3A_52 = arith.addi %mul3A_24, %parallel_loop3A_51 : vector<16xi32>
      %parallel_loop3A_53 = arith.constant 0.000000e+00 : f32
      %parallel_loop3A_54 = vector.broadcast %parallel_loop3A_53 : f32 to vector<16xf32>
      %parallel_loop3A_55 = arith.constant 0 : i32
      %parallel_loop3A_56 = vector.broadcast %parallel_loop3A_55 : i32 to vector<16x1xi32>
      %parallel_loop3A_57 = vector.shape_cast %parallel_loop3A_56 : vector<16x1xi32> to vector<16xi32>
      %parallel_loop3A_58 = tpu.dynamic_gather %parallel_loop3A_48[%parallel_loop3A_57] in [0] : vector<16xf32>, vector<16xi32> -> vector<16xf32>
      %parallel_loop3A_59 = arith.constant 0 : i32
      %parallel_loop3A_60 = vector.broadcast %parallel_loop3A_59 : i32 to vector<16x1xi32>
      %parallel_loop3A_61 = vector.shape_cast %parallel_loop3A_60 : vector<16x1xi32> to vector<16xi32>
      %parallel_loop3A_62 = tpu.dynamic_gather %parallel_loop3A_52[%parallel_loop3A_61] in [0] : vector<16xi32>, vector<16xi32> -> vector<16xi32>
      %parallel_loop3A_63 = arith.addi %parallel_loop3A_62, %add3A_12 : vector<16xi32>
      %parallel_loop3A_64 = tpu.vector_load_idx %arg7[%parallel_loop3A_63] : memref<9216xf32, #tpu.memory_space<vmem>>[vector<16xi32>], vector<16xf32>,
      %parallel_loop3A_65 = arith.addi %parallel_loop3A_62, %add3A_15 : vector<16xi32>
      %parallel_loop3A_66 = tpu.vector_load_idx %arg7[%parallel_loop3A_65] : memref<9216xf32, #tpu.memory_space<vmem>>[vector<16xi32>], vector<16xf32>,
      %parallel_loop3A_67 = arith.addi %parallel_loop3A_62, %add3A_18 : vector<16xi32>
      %parallel_loop3A_68 = tpu.vector_load_idx %arg7[%parallel_loop3A_67] : memref<9216xf32, #tpu.memory_space<vmem>>[vector<16xi32>], vector<16xf32>,
      %parallel_loop3A_69 = arith.addi %parallel_loop3A_62, %add3A_21 : vector<16xi32>
      %parallel_loop3A_70 = tpu.vector_load_idx %arg7[%parallel_loop3A_69] : memref<9216xf32, #tpu.memory_space<vmem>>[vector<16xi32>], vector<16xf32>,
      %parallel_loop3A_71 = arith.mulf %parallel_loop3A_70, %parallel_loop3A_58 : vector<16xf32>
      %parallel_loop3A_72 = arith.addf %parallel_loop3A_71, %parallel_loop3A_68 : vector<16xf32>
      %parallel_loop3A_73 = arith.mulf %parallel_loop3A_72, %parallel_loop3A_58 : vector<16xf32>
      %parallel_loop3A_74 = arith.addf %parallel_loop3A_73, %parallel_loop3A_66 : vector<16xf32>
      %parallel_loop3A_75 = arith.mulf %parallel_loop3A_74, %parallel_loop3A_58 : vector<16xf32>
      %parallel_loop3A_76 = arith.addf %parallel_loop3A_75, %parallel_loop3A_64 : vector<16xf32>
      %parallel_loop3A_77 = arith.addf %parallel_loop3A_54, %parallel_loop3A_76 : vector<16xf32>
      %parallel_loop3A_78 = arith.constant 1 : i32
      %parallel_loop3A_79 = vector.broadcast %parallel_loop3A_78 : i32 to vector<16x1xi32>
      %parallel_loop3A_80 = vector.shape_cast %parallel_loop3A_79 : vector<16x1xi32> to vector<16xi32>
      %parallel_loop3A_81 = tpu.dynamic_gather %parallel_loop3A_48[%parallel_loop3A_80] in [0] : vector<16xf32>, vector<16xi32> -> vector<16xf32>
      %parallel_loop3A_82 = arith.constant 1 : i32
      %parallel_loop3A_83 = vector.broadcast %parallel_loop3A_82 : i32 to vector<16x1xi32>
      %parallel_loop3A_84 = vector.shape_cast %parallel_loop3A_83 : vector<16x1xi32> to vector<16xi32>
      %parallel_loop3A_85 = tpu.dynamic_gather %parallel_loop3A_52[%parallel_loop3A_84] in [0] : vector<16xi32>, vector<16xi32> -> vector<16xi32>
      %parallel_loop3A_86 = arith.addi %parallel_loop3A_85, %add3A_12 : vector<16xi32>
      %parallel_loop3A_87 = tpu.vector_load_idx %arg7[%parallel_loop3A_86] : memref<9216xf32, #tpu.memory_space<vmem>>[vector<16xi32>], vector<16xf32>,
      %parallel_loop3A_88 = arith.addi %parallel_loop3A_85, %add3A_15 : vector<16xi32>
      %parallel_loop3A_89 = tpu.vector_load_idx %arg7[%parallel_loop3A_88] : memref<9216xf32, #tpu.memory_space<vmem>>[vector<16xi32>], vector<16xf32>,
      %parallel_loop3A_90 = arith.addi %parallel_loop3A_85, %add3A_18 : vector<16xi32>
      %parallel_loop3A_91 = tpu.vector_load_idx %arg7[%parallel_loop3A_90] : memref<9216xf32, #tpu.memory_space<vmem>>[vector<16xi32>], vector<16xf32>,
      %parallel_loop3A_92 = arith.addi %parallel_loop3A_85, %add3A_21 : vector<16xi32>
      %parallel_loop3A_93 = tpu.vector_load_idx %arg7[%parallel_loop3A_92] : memref<9216xf32, #tpu.memory_space<vmem>>[vector<16xi32>], vector<16xf32>,
      %parallel_loop3A_94 = arith.mulf %parallel_loop3A_93, %parallel_loop3A_81 : vector<16xf32>
      %parallel_loop3A_95 = arith.addf %parallel_loop3A_94, %parallel_loop3A_91 : vector<16xf32>
      %parallel_loop3A_96 = arith.mulf %parallel_loop3A_95, %parallel_loop3A_81 : vector<16xf32>
      %parallel_loop3A_97 = arith.addf %parallel_loop3A_96, %parallel_loop3A_89 : vector<16xf32>
      %parallel_loop3A_98 = arith.mulf %parallel_loop3A_97, %parallel_loop3A_81 : vector<16xf32>
      %parallel_loop3A_99 = arith.addf %parallel_loop3A_98, %parallel_loop3A_87 : vector<16xf32>
      %parallel_loop3A_100 = arith.addf %parallel_loop3A_77, %parallel_loop3A_99 : vector<16xf32>
      %parallel_loop3A_101 = arith.constant 2 : i32
      %parallel_loop3A_102 = vector.broadcast %parallel_loop3A_101 : i32 to vector<16x1xi32>
      %parallel_loop3A_103 = vector.shape_cast %parallel_loop3A_102 : vector<16x1xi32> to vector<16xi32>
      %parallel_loop3A_104 = tpu.dynamic_gather %parallel_loop3A_48[%parallel_loop3A_103] in [0] : vector<16xf32>, vector<16xi32> -> vector<16xf32>
      %parallel_loop3A_105 = arith.constant 2 : i32
      %parallel_loop3A_106 = vector.broadcast %parallel_loop3A_105 : i32 to vector<16x1xi32>
      %parallel_loop3A_107 = vector.shape_cast %parallel_loop3A_106 : vector<16x1xi32> to vector<16xi32>
      %parallel_loop3A_108 = tpu.dynamic_gather %parallel_loop3A_52[%parallel_loop3A_107] in [0] : vector<16xi32>, vector<16xi32> -> vector<16xi32>
      %parallel_loop3A_109 = arith.addi %parallel_loop3A_108, %add3A_12 : vector<16xi32>
      %parallel_loop3A_110 = tpu.vector_load_idx %arg7[%parallel_loop3A_109] : memref<9216xf32, #tpu.memory_space<vmem>>[vector<16xi32>], vector<16xf32>,
      %parallel_loop3A_111 = arith.addi %parallel_loop3A_108, %add3A_15 : vector<16xi32>
      %parallel_loop3A_112 = tpu.vector_load_idx %arg7[%parallel_loop3A_111] : memref<9216xf32, #tpu.memory_space<vmem>>[vector<16xi32>], vector<16xf32>,
      %parallel_loop3A_113 = arith.addi %parallel_loop3A_108, %add3A_18 : vector<16xi32>
      %parallel_loop3A_114 = tpu.vector_load_idx %arg7[%parallel_loop3A_113] : memref<9216xf32, #tpu.memory_space<vmem>>[vector<16xi32>], vector<16xf32>,
      %parallel_loop3A_115 = arith.addi %parallel_loop3A_108, %add3A_21 : vector<16xi32>
      %parallel_loop3A_116 = tpu.vector_load_idx %arg7[%parallel_loop3A_115] : memref<9216xf32, #tpu.memory_space<vmem>>[vector<16xi32>], vector<16xf32>,
      %parallel_loop3A_117 = arith.mulf %parallel_loop3A_116, %parallel_loop3A_104 : vector<16xf32>
      %parallel_loop3A_118 = arith.addf %parallel_loop3A_117, %parallel_loop3A_114 : vector<16xf32>
      %parallel_loop3A_119 = arith.mulf %parallel_loop3A_118, %parallel_loop3A_104 : vector<16xf32>
      %parallel_loop3A_120 = arith.addf %parallel_loop3A_119, %parallel_loop3A_112 : vector<16xf32>
      %parallel_loop3A_121 = arith.mulf %parallel_loop3A_120, %parallel_loop3A_104 : vector<16xf32>
      %parallel_loop3A_122 = arith.addf %parallel_loop3A_121, %parallel_loop3A_110 : vector<16xf32>
      %parallel_loop3A_123 = arith.addf %parallel_loop3A_100, %parallel_loop3A_122 : vector<16xf32>
      %parallel_loop3A_124 = arith.constant 3 : i32
      %parallel_loop3A_125 = vector.broadcast %parallel_loop3A_124 : i32 to vector<16x1xi32>
      %parallel_loop3A_126 = vector.shape_cast %parallel_loop3A_125 : vector<16x1xi32> to vector<16xi32>
      %parallel_loop3A_127 = tpu.dynamic_gather %parallel_loop3A_48[%parallel_loop3A_126] in [0] : vector<16xf32>, vector<16xi32> -> vector<16xf32>
      %parallel_loop3A_128 = arith.constant 3 : i32
      %parallel_loop3A_129 = vector.broadcast %parallel_loop3A_128 : i32 to vector<16x1xi32>
      %parallel_loop3A_130 = vector.shape_cast %parallel_loop3A_129 : vector<16x1xi32> to vector<16xi32>
      %parallel_loop3A_131 = tpu.dynamic_gather %parallel_loop3A_52[%parallel_loop3A_130] in [0] : vector<16xi32>, vector<16xi32> -> vector<16xi32>
      %parallel_loop3A_132 = arith.addi %parallel_loop3A_131, %add3A_12 : vector<16xi32>
      %parallel_loop3A_133 = tpu.vector_load_idx %arg7[%parallel_loop3A_132] : memref<9216xf32, #tpu.memory_space<vmem>>[vector<16xi32>], vector<16xf32>,
      %parallel_loop3A_134 = arith.addi %parallel_loop3A_131, %add3A_15 : vector<16xi32>
      %parallel_loop3A_135 = tpu.vector_load_idx %arg7[%parallel_loop3A_134] : memref<9216xf32, #tpu.memory_space<vmem>>[vector<16xi32>], vector<16xf32>,
      %parallel_loop3A_136 = arith.addi %parallel_loop3A_131, %add3A_18 : vector<16xi32>
      %parallel_loop3A_137 = tpu.vector_load_idx %arg7[%parallel_loop3A_136] : memref<9216xf32, #tpu.memory_space<vmem>>[vector<16xi32>], vector<16xf32>,
      %parallel_loop3A_138 = arith.addi %parallel_loop3A_131, %add3A_21 : vector<16xi32>
      %parallel_loop3A_139 = tpu.vector_load_idx %arg7[%parallel_loop3A_138] : memref<9216xf32, #tpu.memory_space<vmem>>[vector<16xi32>], vector<16xf32>,
      %parallel_loop3A_140 = arith.mulf %parallel_loop3A_139, %parallel_loop3A_127 : vector<16xf32>
      %parallel_loop3A_141 = arith.addf %parallel_loop3A_140, %parallel_loop3A_137 : vector<16xf32>
      %parallel_loop3A_142 = arith.mulf %parallel_loop3A_141, %parallel_loop3A_127 : vector<16xf32>
      %parallel_loop3A_143 = arith.addf %parallel_loop3A_142, %parallel_loop3A_135 : vector<16xf32>
      %parallel_loop3A_144 = arith.mulf %parallel_loop3A_143, %parallel_loop3A_127 : vector<16xf32>
      %parallel_loop3A_145 = arith.addf %parallel_loop3A_144, %parallel_loop3A_133 : vector<16xf32>
      %parallel_loop3A_146 = arith.addf %parallel_loop3A_123, %parallel_loop3A_145 : vector<16xf32>
      %parallel_loop3A_147 = arith.constant 4 : i32
      %parallel_loop3A_148 = vector.broadcast %parallel_loop3A_147 : i32 to vector<16x1xi32>
      %parallel_loop3A_149 = vector.shape_cast %parallel_loop3A_148 : vector<16x1xi32> to vector<16xi32>
      %parallel_loop3A_150 = tpu.dynamic_gather %parallel_loop3A_48[%parallel_loop3A_149] in [0] : vector<16xf32>, vector<16xi32> -> vector<16xf32>
      %parallel_loop3A_151 = arith.constant 4 : i32
      %parallel_loop3A_152 = vector.broadcast %parallel_loop3A_151 : i32 to vector<16x1xi32>
      %parallel_loop3A_153 = vector.shape_cast %parallel_loop3A_152 : vector<16x1xi32> to vector<16xi32>
      %parallel_loop3A_154 = tpu.dynamic_gather %parallel_loop3A_52[%parallel_loop3A_153] in [0] : vector<16xi32>, vector<16xi32> -> vector<16xi32>
      %parallel_loop3A_155 = arith.addi %parallel_loop3A_154, %add3A_12 : vector<16xi32>
      %parallel_loop3A_156 = tpu.vector_load_idx %arg7[%parallel_loop3A_155] : memref<9216xf32, #tpu.memory_space<vmem>>[vector<16xi32>], vector<16xf32>,
      %parallel_loop3A_157 = arith.addi %parallel_loop3A_154, %add3A_15 : vector<16xi32>
      %parallel_loop3A_158 = tpu.vector_load_idx %arg7[%parallel_loop3A_157] : memref<9216xf32, #tpu.memory_space<vmem>>[vector<16xi32>], vector<16xf32>,
      %parallel_loop3A_159 = arith.addi %parallel_loop3A_154, %add3A_18 : vector<16xi32>
      %parallel_loop3A_160 = tpu.vector_load_idx %arg7[%parallel_loop3A_159] : memref<9216xf32, #tpu.memory_space<vmem>>[vector<16xi32>], vector<16xf32>,
      %parallel_loop3A_161 = arith.addi %parallel_loop3A_154, %add3A_21 : vector<16xi32>
      %parallel_loop3A_162 = tpu.vector_load_idx %arg7[%parallel_loop3A_161] : memref<9216xf32, #tpu.memory_space<vmem>>[vector<16xi32>], vector<16xf32>,
      %parallel_loop3A_163 = arith.mulf %parallel_loop3A_162, %parallel_loop3A_150 : vector<16xf32>
      %parallel_loop3A_164 = arith.addf %parallel_loop3A_163, %parallel_loop3A_160 : vector<16xf32>
      %parallel_loop3A_165 = arith.mulf %parallel_loop3A_164, %parallel_loop3A_150 : vector<16xf32>
      %parallel_loop3A_166 = arith.addf %parallel_loop3A_165, %parallel_loop3A_158 : vector<16xf32>
      %parallel_loop3A_167 = arith.mulf %parallel_loop3A_166, %parallel_loop3A_150 : vector<16xf32>
      %parallel_loop3A_168 = arith.addf %parallel_loop3A_167, %parallel_loop3A_156 : vector<16xf32>
      %parallel_loop3A_169 = arith.addf %parallel_loop3A_146, %parallel_loop3A_168 : vector<16xf32>
      %parallel_loop3A_170 = arith.constant 5 : i32
      %parallel_loop3A_171 = vector.broadcast %parallel_loop3A_170 : i32 to vector<16x1xi32>
      %parallel_loop3A_172 = vector.shape_cast %parallel_loop3A_171 : vector<16x1xi32> to vector<16xi32>
      %parallel_loop3A_173 = tpu.dynamic_gather %parallel_loop3A_48[%parallel_loop3A_172] in [0] : vector<16xf32>, vector<16xi32> -> vector<16xf32>
      %parallel_loop3A_174 = arith.constant 5 : i32
      %parallel_loop3A_175 = vector.broadcast %parallel_loop3A_174 : i32 to vector<16x1xi32>
      %parallel_loop3A_176 = vector.shape_cast %parallel_loop3A_175 : vector<16x1xi32> to vector<16xi32>
      %parallel_loop3A_177 = tpu.dynamic_gather %parallel_loop3A_52[%parallel_loop3A_176] in [0] : vector<16xi32>, vector<16xi32> -> vector<16xi32>
      %parallel_loop3A_178 = arith.addi %parallel_loop3A_177, %add3A_12 : vector<16xi32>
      %parallel_loop3A_179 = tpu.vector_load_idx %arg7[%parallel_loop3A_178] : memref<9216xf32, #tpu.memory_space<vmem>>[vector<16xi32>], vector<16xf32>,
      %parallel_loop3A_180 = arith.addi %parallel_loop3A_177, %add3A_15 : vector<16xi32>
      %parallel_loop3A_181 = tpu.vector_load_idx %arg7[%parallel_loop3A_180] : memref<9216xf32, #tpu.memory_space<vmem>>[vector<16xi32>], vector<16xf32>,
      %parallel_loop3A_182 = arith.addi %parallel_loop3A_177, %add3A_18 : vector<16xi32>
      %parallel_loop3A_183 = tpu.vector_load_idx %arg7[%parallel_loop3A_182] : memref<9216xf32, #tpu.memory_space<vmem>>[vector<16xi32>], vector<16xf32>,
      %parallel_loop3A_184 = arith.addi %parallel_loop3A_177, %add3A_21 : vector<16xi32>
      %parallel_loop3A_185 = tpu.vector_load_idx %arg7[%parallel_loop3A_184] : memref<9216xf32, #tpu.memory_space<vmem>>[vector<16xi32>], vector<16xf32>,
      %parallel_loop3A_186 = arith.mulf %parallel_loop3A_185, %parallel_loop3A_173 : vector<16xf32>
      %parallel_loop3A_187 = arith.addf %parallel_loop3A_186, %parallel_loop3A_183 : vector<16xf32>
      %parallel_loop3A_188 = arith.mulf %parallel_loop3A_187, %parallel_loop3A_173 : vector<16xf32>
      %parallel_loop3A_189 = arith.addf %parallel_loop3A_188, %parallel_loop3A_181 : vector<16xf32>
      %parallel_loop3A_190 = arith.mulf %parallel_loop3A_189, %parallel_loop3A_173 : vector<16xf32>
      %parallel_loop3A_191 = arith.addf %parallel_loop3A_190, %parallel_loop3A_179 : vector<16xf32>
      %parallel_loop3A_192 = arith.addf %parallel_loop3A_169, %parallel_loop3A_191 : vector<16xf32>
      %parallel_loop3A_193 = arith.constant 6 : i32
      %parallel_loop3A_194 = vector.broadcast %parallel_loop3A_193 : i32 to vector<16x1xi32>
      %parallel_loop3A_195 = vector.shape_cast %parallel_loop3A_194 : vector<16x1xi32> to vector<16xi32>
      %parallel_loop3A_196 = tpu.dynamic_gather %parallel_loop3A_48[%parallel_loop3A_195] in [0] : vector<16xf32>, vector<16xi32> -> vector<16xf32>
      %parallel_loop3A_197 = arith.constant 6 : i32
      %parallel_loop3A_198 = vector.broadcast %parallel_loop3A_197 : i32 to vector<16x1xi32>
      %parallel_loop3A_199 = vector.shape_cast %parallel_loop3A_198 : vector<16x1xi32> to vector<16xi32>
      %parallel_loop3A_200 = tpu.dynamic_gather %parallel_loop3A_52[%parallel_loop3A_199] in [0] : vector<16xi32>, vector<16xi32> -> vector<16xi32>
      %parallel_loop3A_201 = arith.addi %parallel_loop3A_200, %add3A_12 : vector<16xi32>
      %parallel_loop3A_202 = tpu.vector_load_idx %arg7[%parallel_loop3A_201] : memref<9216xf32, #tpu.memory_space<vmem>>[vector<16xi32>], vector<16xf32>,
      %parallel_loop3A_203 = arith.addi %parallel_loop3A_200, %add3A_15 : vector<16xi32>
      %parallel_loop3A_204 = tpu.vector_load_idx %arg7[%parallel_loop3A_203] : memref<9216xf32, #tpu.memory_space<vmem>>[vector<16xi32>], vector<16xf32>,
      %parallel_loop3A_205 = arith.addi %parallel_loop3A_200, %add3A_18 : vector<16xi32>
      %parallel_loop3A_206 = tpu.vector_load_idx %arg7[%parallel_loop3A_205] : memref<9216xf32, #tpu.memory_space<vmem>>[vector<16xi32>], vector<16xf32>,
      %parallel_loop3A_207 = arith.addi %parallel_loop3A_200, %add3A_21 : vector<16xi32>
      %parallel_loop3A_208 = tpu.vector_load_idx %arg7[%parallel_loop3A_207] : memref<9216xf32, #tpu.memory_space<vmem>>[vector<16xi32>], vector<16xf32>,
      %parallel_loop3A_209 = arith.mulf %parallel_loop3A_208, %parallel_loop3A_196 : vector<16xf32>
      %parallel_loop3A_210 = arith.addf %parallel_loop3A_209, %parallel_loop3A_206 : vector<16xf32>
      %parallel_loop3A_211 = arith.mulf %parallel_loop3A_210, %parallel_loop3A_196 : vector<16xf32>
      %parallel_loop3A_212 = arith.addf %parallel_loop3A_211, %parallel_loop3A_204 : vector<16xf32>
      %parallel_loop3A_213 = arith.mulf %parallel_loop3A_212, %parallel_loop3A_196 : vector<16xf32>
      %parallel_loop3A_214 = arith.addf %parallel_loop3A_213, %parallel_loop3A_202 : vector<16xf32>
      %parallel_loop3A_215 = arith.addf %parallel_loop3A_192, %parallel_loop3A_214 : vector<16xf32>
      %parallel_loop3A_216 = arith.constant 7 : i32
      %parallel_loop3A_217 = vector.broadcast %parallel_loop3A_216 : i32 to vector<16x1xi32>
      %parallel_loop3A_218 = vector.shape_cast %parallel_loop3A_217 : vector<16x1xi32> to vector<16xi32>
      %parallel_loop3A_219 = tpu.dynamic_gather %parallel_loop3A_48[%parallel_loop3A_218] in [0] : vector<16xf32>, vector<16xi32> -> vector<16xf32>
      %parallel_loop3A_220 = arith.constant 7 : i32
      %parallel_loop3A_221 = vector.broadcast %parallel_loop3A_220 : i32 to vector<16x1xi32>
      %parallel_loop3A_222 = vector.shape_cast %parallel_loop3A_221 : vector<16x1xi32> to vector<16xi32>
      %parallel_loop3A_223 = tpu.dynamic_gather %parallel_loop3A_52[%parallel_loop3A_222] in [0] : vector<16xi32>, vector<16xi32> -> vector<16xi32>
      %parallel_loop3A_224 = arith.addi %parallel_loop3A_223, %add3A_12 : vector<16xi32>
      %parallel_loop3A_225 = tpu.vector_load_idx %arg7[%parallel_loop3A_224] : memref<9216xf32, #tpu.memory_space<vmem>>[vector<16xi32>], vector<16xf32>,
      %parallel_loop3A_226 = arith.addi %parallel_loop3A_223, %add3A_15 : vector<16xi32>
      %parallel_loop3A_227 = tpu.vector_load_idx %arg7[%parallel_loop3A_226] : memref<9216xf32, #tpu.memory_space<vmem>>[vector<16xi32>], vector<16xf32>,
      %parallel_loop3A_228 = arith.addi %parallel_loop3A_223, %add3A_18 : vector<16xi32>
      %parallel_loop3A_229 = tpu.vector_load_idx %arg7[%parallel_loop3A_228] : memref<9216xf32, #tpu.memory_space<vmem>>[vector<16xi32>], vector<16xf32>,
      %parallel_loop3A_230 = arith.addi %parallel_loop3A_223, %add3A_21 : vector<16xi32>
      %parallel_loop3A_231 = tpu.vector_load_idx %arg7[%parallel_loop3A_230] : memref<9216xf32, #tpu.memory_space<vmem>>[vector<16xi32>], vector<16xf32>,
      %parallel_loop3A_232 = arith.mulf %parallel_loop3A_231, %parallel_loop3A_219 : vector<16xf32>
      %parallel_loop3A_233 = arith.addf %parallel_loop3A_232, %parallel_loop3A_229 : vector<16xf32>
      %parallel_loop3A_234 = arith.mulf %parallel_loop3A_233, %parallel_loop3A_219 : vector<16xf32>
      %parallel_loop3A_235 = arith.addf %parallel_loop3A_234, %parallel_loop3A_227 : vector<16xf32>
      %parallel_loop3A_236 = arith.mulf %parallel_loop3A_235, %parallel_loop3A_219 : vector<16xf32>
      %parallel_loop3A_237 = arith.addf %parallel_loop3A_236, %parallel_loop3A_225 : vector<16xf32>
      %parallel_loop3A_238 = arith.addf %parallel_loop3A_215, %parallel_loop3A_237 : vector<16xf32>
      %parallel_loop3A_239 = arith.constant 8 : i32
      %parallel_loop3A_240 = vector.broadcast %parallel_loop3A_239 : i32 to vector<16x1xi32>
      %parallel_loop3A_241 = vector.shape_cast %parallel_loop3A_240 : vector<16x1xi32> to vector<16xi32>
      %parallel_loop3A_242 = tpu.dynamic_gather %parallel_loop3A_48[%parallel_loop3A_241] in [0] : vector<16xf32>, vector<16xi32> -> vector<16xf32>
      %parallel_loop3A_243 = arith.constant 8 : i32
      %parallel_loop3A_244 = vector.broadcast %parallel_loop3A_243 : i32 to vector<16x1xi32>
      %parallel_loop3A_245 = vector.shape_cast %parallel_loop3A_244 : vector<16x1xi32> to vector<16xi32>
      %parallel_loop3A_246 = tpu.dynamic_gather %parallel_loop3A_52[%parallel_loop3A_245] in [0] : vector<16xi32>, vector<16xi32> -> vector<16xi32>
      %parallel_loop3A_247 = arith.addi %parallel_loop3A_246, %add3A_12 : vector<16xi32>
      %parallel_loop3A_248 = tpu.vector_load_idx %arg7[%parallel_loop3A_247] : memref<9216xf32, #tpu.memory_space<vmem>>[vector<16xi32>], vector<16xf32>,
      %parallel_loop3A_249 = arith.addi %parallel_loop3A_246, %add3A_15 : vector<16xi32>
      %parallel_loop3A_250 = tpu.vector_load_idx %arg7[%parallel_loop3A_249] : memref<9216xf32, #tpu.memory_space<vmem>>[vector<16xi32>], vector<16xf32>,
      %parallel_loop3A_251 = arith.addi %parallel_loop3A_246, %add3A_18 : vector<16xi32>
      %parallel_loop3A_252 = tpu.vector_load_idx %arg7[%parallel_loop3A_251] : memref<9216xf32, #tpu.memory_space<vmem>>[vector<16xi32>], vector<16xf32>,
      %parallel_loop3A_253 = arith.addi %parallel_loop3A_246, %add3A_21 : vector<16xi32>
      %parallel_loop3A_254 = tpu.vector_load_idx %arg7[%parallel_loop3A_253] : memref<9216xf32, #tpu.memory_space<vmem>>[vector<16xi32>], vector<16xf32>,
      %parallel_loop3A_255 = arith.mulf %parallel_loop3A_254, %parallel_loop3A_242 : vector<16xf32>
      %parallel_loop3A_256 = arith.addf %parallel_loop3A_255, %parallel_loop3A_252 : vector<16xf32>
      %parallel_loop3A_257 = arith.mulf %parallel_loop3A_256, %parallel_loop3A_242 : vector<16xf32>
      %parallel_loop3A_258 = arith.addf %parallel_loop3A_257, %parallel_loop3A_250 : vector<16xf32>
      %parallel_loop3A_259 = arith.mulf %parallel_loop3A_258, %parallel_loop3A_242 : vector<16xf32>
      %parallel_loop3A_260 = arith.addf %parallel_loop3A_259, %parallel_loop3A_248 : vector<16xf32>
      %parallel_loop3A_261 = arith.addf %parallel_loop3A_238, %parallel_loop3A_260 : vector<16xf32>
      %parallel_loop3A_262 = arith.constant 9 : i32
      %parallel_loop3A_263 = vector.broadcast %parallel_loop3A_262 : i32 to vector<16x1xi32>
      %parallel_loop3A_264 = vector.shape_cast %parallel_loop3A_263 : vector<16x1xi32> to vector<16xi32>
      %parallel_loop3A_265 = tpu.dynamic_gather %parallel_loop3A_48[%parallel_loop3A_264] in [0] : vector<16xf32>, vector<16xi32> -> vector<16xf32>
      %parallel_loop3A_266 = arith.constant 9 : i32
      %parallel_loop3A_267 = vector.broadcast %parallel_loop3A_266 : i32 to vector<16x1xi32>
      %parallel_loop3A_268 = vector.shape_cast %parallel_loop3A_267 : vector<16x1xi32> to vector<16xi32>
      %parallel_loop3A_269 = tpu.dynamic_gather %parallel_loop3A_52[%parallel_loop3A_268] in [0] : vector<16xi32>, vector<16xi32> -> vector<16xi32>
      %parallel_loop3A_270 = arith.addi %parallel_loop3A_269, %add3A_12 : vector<16xi32>
      %parallel_loop3A_271 = tpu.vector_load_idx %arg7[%parallel_loop3A_270] : memref<9216xf32, #tpu.memory_space<vmem>>[vector<16xi32>], vector<16xf32>,
      %parallel_loop3A_272 = arith.addi %parallel_loop3A_269, %add3A_15 : vector<16xi32>
      %parallel_loop3A_273 = tpu.vector_load_idx %arg7[%parallel_loop3A_272] : memref<9216xf32, #tpu.memory_space<vmem>>[vector<16xi32>], vector<16xf32>,
      %parallel_loop3A_274 = arith.addi %parallel_loop3A_269, %add3A_18 : vector<16xi32>
      %parallel_loop3A_275 = tpu.vector_load_idx %arg7[%parallel_loop3A_274] : memref<9216xf32, #tpu.memory_space<vmem>>[vector<16xi32>], vector<16xf32>,
      %parallel_loop3A_276 = arith.addi %parallel_loop3A_269, %add3A_21 : vector<16xi32>
      %parallel_loop3A_277 = tpu.vector_load_idx %arg7[%parallel_loop3A_276] : memref<9216xf32, #tpu.memory_space<vmem>>[vector<16xi32>], vector<16xf32>,
      %parallel_loop3A_278 = arith.mulf %parallel_loop3A_277, %parallel_loop3A_265 : vector<16xf32>
      %parallel_loop3A_279 = arith.addf %parallel_loop3A_278, %parallel_loop3A_275 : vector<16xf32>
      %parallel_loop3A_280 = arith.mulf %parallel_loop3A_279, %parallel_loop3A_265 : vector<16xf32>
      %parallel_loop3A_281 = arith.addf %parallel_loop3A_280, %parallel_loop3A_273 : vector<16xf32>
      %parallel_loop3A_282 = arith.mulf %parallel_loop3A_281, %parallel_loop3A_265 : vector<16xf32>
      %parallel_loop3A_283 = arith.addf %parallel_loop3A_282, %parallel_loop3A_271 : vector<16xf32>
      %parallel_loop3A_284 = arith.addf %parallel_loop3A_261, %parallel_loop3A_283 : vector<16xf32>
      %parallel_loop3A_285 = arith.constant 10 : i32
      %parallel_loop3A_286 = vector.broadcast %parallel_loop3A_285 : i32 to vector<16x1xi32>
      %parallel_loop3A_287 = vector.shape_cast %parallel_loop3A_286 : vector<16x1xi32> to vector<16xi32>
      %parallel_loop3A_288 = tpu.dynamic_gather %parallel_loop3A_48[%parallel_loop3A_287] in [0] : vector<16xf32>, vector<16xi32> -> vector<16xf32>
      %parallel_loop3A_289 = arith.constant 10 : i32
      %parallel_loop3A_290 = vector.broadcast %parallel_loop3A_289 : i32 to vector<16x1xi32>
      %parallel_loop3A_291 = vector.shape_cast %parallel_loop3A_290 : vector<16x1xi32> to vector<16xi32>
      %parallel_loop3A_292 = tpu.dynamic_gather %parallel_loop3A_52[%parallel_loop3A_291] in [0] : vector<16xi32>, vector<16xi32> -> vector<16xi32>
      %parallel_loop3A_293 = arith.addi %parallel_loop3A_292, %add3A_12 : vector<16xi32>
      %parallel_loop3A_294 = tpu.vector_load_idx %arg7[%parallel_loop3A_293] : memref<9216xf32, #tpu.memory_space<vmem>>[vector<16xi32>], vector<16xf32>,
      %parallel_loop3A_295 = arith.addi %parallel_loop3A_292, %add3A_15 : vector<16xi32>
      %parallel_loop3A_296 = tpu.vector_load_idx %arg7[%parallel_loop3A_295] : memref<9216xf32, #tpu.memory_space<vmem>>[vector<16xi32>], vector<16xf32>,
      %parallel_loop3A_297 = arith.addi %parallel_loop3A_292, %add3A_18 : vector<16xi32>
      %parallel_loop3A_298 = tpu.vector_load_idx %arg7[%parallel_loop3A_297] : memref<9216xf32, #tpu.memory_space<vmem>>[vector<16xi32>], vector<16xf32>,
      %parallel_loop3A_299 = arith.addi %parallel_loop3A_292, %add3A_21 : vector<16xi32>
      %parallel_loop3A_300 = tpu.vector_load_idx %arg7[%parallel_loop3A_299] : memref<9216xf32, #tpu.memory_space<vmem>>[vector<16xi32>], vector<16xf32>,
      %parallel_loop3A_301 = arith.mulf %parallel_loop3A_300, %parallel_loop3A_288 : vector<16xf32>
      %parallel_loop3A_302 = arith.addf %parallel_loop3A_301, %parallel_loop3A_298 : vector<16xf32>
      %parallel_loop3A_303 = arith.mulf %parallel_loop3A_302, %parallel_loop3A_288 : vector<16xf32>
      %parallel_loop3A_304 = arith.addf %parallel_loop3A_303, %parallel_loop3A_296 : vector<16xf32>
      %parallel_loop3A_305 = arith.mulf %parallel_loop3A_304, %parallel_loop3A_288 : vector<16xf32>
      %parallel_loop3A_306 = arith.addf %parallel_loop3A_305, %parallel_loop3A_294 : vector<16xf32>
      %parallel_loop3A_307 = arith.addf %parallel_loop3A_284, %parallel_loop3A_306 : vector<16xf32>
      %parallel_loop3A_308 = arith.constant 11 : i32
      %parallel_loop3A_309 = vector.broadcast %parallel_loop3A_308 : i32 to vector<16x1xi32>
      %parallel_loop3A_310 = vector.shape_cast %parallel_loop3A_309 : vector<16x1xi32> to vector<16xi32>
      %parallel_loop3A_311 = tpu.dynamic_gather %parallel_loop3A_48[%parallel_loop3A_310] in [0] : vector<16xf32>, vector<16xi32> -> vector<16xf32>
      %parallel_loop3A_312 = arith.constant 11 : i32
      %parallel_loop3A_313 = vector.broadcast %parallel_loop3A_312 : i32 to vector<16x1xi32>
      %parallel_loop3A_314 = vector.shape_cast %parallel_loop3A_313 : vector<16x1xi32> to vector<16xi32>
      %parallel_loop3A_315 = tpu.dynamic_gather %parallel_loop3A_52[%parallel_loop3A_314] in [0] : vector<16xi32>, vector<16xi32> -> vector<16xi32>
      %parallel_loop3A_316 = arith.addi %parallel_loop3A_315, %add3A_12 : vector<16xi32>
      %parallel_loop3A_317 = tpu.vector_load_idx %arg7[%parallel_loop3A_316] : memref<9216xf32, #tpu.memory_space<vmem>>[vector<16xi32>], vector<16xf32>,
      %parallel_loop3A_318 = arith.addi %parallel_loop3A_315, %add3A_15 : vector<16xi32>
      %parallel_loop3A_319 = tpu.vector_load_idx %arg7[%parallel_loop3A_318] : memref<9216xf32, #tpu.memory_space<vmem>>[vector<16xi32>], vector<16xf32>,
      %parallel_loop3A_320 = arith.addi %parallel_loop3A_315, %add3A_18 : vector<16xi32>
      %parallel_loop3A_321 = tpu.vector_load_idx %arg7[%parallel_loop3A_320] : memref<9216xf32, #tpu.memory_space<vmem>>[vector<16xi32>], vector<16xf32>,
      %parallel_loop3A_322 = arith.addi %parallel_loop3A_315, %add3A_21 : vector<16xi32>
      %parallel_loop3A_323 = tpu.vector_load_idx %arg7[%parallel_loop3A_322] : memref<9216xf32, #tpu.memory_space<vmem>>[vector<16xi32>], vector<16xf32>,
      %parallel_loop3A_324 = arith.mulf %parallel_loop3A_323, %parallel_loop3A_311 : vector<16xf32>
      %parallel_loop3A_325 = arith.addf %parallel_loop3A_324, %parallel_loop3A_321 : vector<16xf32>
      %parallel_loop3A_326 = arith.mulf %parallel_loop3A_325, %parallel_loop3A_311 : vector<16xf32>
      %parallel_loop3A_327 = arith.addf %parallel_loop3A_326, %parallel_loop3A_319 : vector<16xf32>
      %parallel_loop3A_328 = arith.mulf %parallel_loop3A_327, %parallel_loop3A_311 : vector<16xf32>
      %parallel_loop3A_329 = arith.addf %parallel_loop3A_328, %parallel_loop3A_317 : vector<16xf32>
      %parallel_loop3A_330 = arith.addf %parallel_loop3A_307, %parallel_loop3A_329 : vector<16xf32>
      %parallel_loop3A_331 = arith.constant 12 : i32
      %parallel_loop3A_332 = vector.broadcast %parallel_loop3A_331 : i32 to vector<16x1xi32>
      %parallel_loop3A_333 = vector.shape_cast %parallel_loop3A_332 : vector<16x1xi32> to vector<16xi32>
      %parallel_loop3A_334 = tpu.dynamic_gather %parallel_loop3A_48[%parallel_loop3A_333] in [0] : vector<16xf32>, vector<16xi32> -> vector<16xf32>
      %parallel_loop3A_335 = arith.constant 12 : i32
      %parallel_loop3A_336 = vector.broadcast %parallel_loop3A_335 : i32 to vector<16x1xi32>
      %parallel_loop3A_337 = vector.shape_cast %parallel_loop3A_336 : vector<16x1xi32> to vector<16xi32>
      %parallel_loop3A_338 = tpu.dynamic_gather %parallel_loop3A_52[%parallel_loop3A_337] in [0] : vector<16xi32>, vector<16xi32> -> vector<16xi32>
      %parallel_loop3A_339 = arith.addi %parallel_loop3A_338, %add3A_12 : vector<16xi32>
      %parallel_loop3A_340 = tpu.vector_load_idx %arg7[%parallel_loop3A_339] : memref<9216xf32, #tpu.memory_space<vmem>>[vector<16xi32>], vector<16xf32>,
      %parallel_loop3A_341 = arith.addi %parallel_loop3A_338, %add3A_15 : vector<16xi32>
      %parallel_loop3A_342 = tpu.vector_load_idx %arg7[%parallel_loop3A_341] : memref<9216xf32, #tpu.memory_space<vmem>>[vector<16xi32>], vector<16xf32>,
      %parallel_loop3A_343 = arith.addi %parallel_loop3A_338, %add3A_18 : vector<16xi32>
      %parallel_loop3A_344 = tpu.vector_load_idx %arg7[%parallel_loop3A_343] : memref<9216xf32, #tpu.memory_space<vmem>>[vector<16xi32>], vector<16xf32>,
      %parallel_loop3A_345 = arith.addi %parallel_loop3A_338, %add3A_21 : vector<16xi32>
      %parallel_loop3A_346 = tpu.vector_load_idx %arg7[%parallel_loop3A_345] : memref<9216xf32, #tpu.memory_space<vmem>>[vector<16xi32>], vector<16xf32>,
      %parallel_loop3A_347 = arith.mulf %parallel_loop3A_346, %parallel_loop3A_334 : vector<16xf32>
      %parallel_loop3A_348 = arith.addf %parallel_loop3A_347, %parallel_loop3A_344 : vector<16xf32>
      %parallel_loop3A_349 = arith.mulf %parallel_loop3A_348, %parallel_loop3A_334 : vector<16xf32>
      %parallel_loop3A_350 = arith.addf %parallel_loop3A_349, %parallel_loop3A_342 : vector<16xf32>
      %parallel_loop3A_351 = arith.mulf %parallel_loop3A_350, %parallel_loop3A_334 : vector<16xf32>
      %parallel_loop3A_352 = arith.addf %parallel_loop3A_351, %parallel_loop3A_340 : vector<16xf32>
      %parallel_loop3A_353 = arith.addf %parallel_loop3A_330, %parallel_loop3A_352 : vector<16xf32>
      %parallel_loop3A_354 = arith.constant 13 : i32
      %parallel_loop3A_355 = vector.broadcast %parallel_loop3A_354 : i32 to vector<16x1xi32>
      %parallel_loop3A_356 = vector.shape_cast %parallel_loop3A_355 : vector<16x1xi32> to vector<16xi32>
      %parallel_loop3A_357 = tpu.dynamic_gather %parallel_loop3A_48[%parallel_loop3A_356] in [0] : vector<16xf32>, vector<16xi32> -> vector<16xf32>
      %parallel_loop3A_358 = arith.constant 13 : i32
      %parallel_loop3A_359 = vector.broadcast %parallel_loop3A_358 : i32 to vector<16x1xi32>
      %parallel_loop3A_360 = vector.shape_cast %parallel_loop3A_359 : vector<16x1xi32> to vector<16xi32>
      %parallel_loop3A_361 = tpu.dynamic_gather %parallel_loop3A_52[%parallel_loop3A_360] in [0] : vector<16xi32>, vector<16xi32> -> vector<16xi32>
      %parallel_loop3A_362 = arith.addi %parallel_loop3A_361, %add3A_12 : vector<16xi32>
      %parallel_loop3A_363 = tpu.vector_load_idx %arg7[%parallel_loop3A_362] : memref<9216xf32, #tpu.memory_space<vmem>>[vector<16xi32>], vector<16xf32>,
      %parallel_loop3A_364 = arith.addi %parallel_loop3A_361, %add3A_15 : vector<16xi32>
      %parallel_loop3A_365 = tpu.vector_load_idx %arg7[%parallel_loop3A_364] : memref<9216xf32, #tpu.memory_space<vmem>>[vector<16xi32>], vector<16xf32>,
      %parallel_loop3A_366 = arith.addi %parallel_loop3A_361, %add3A_18 : vector<16xi32>
      %parallel_loop3A_367 = tpu.vector_load_idx %arg7[%parallel_loop3A_366] : memref<9216xf32, #tpu.memory_space<vmem>>[vector<16xi32>], vector<16xf32>,
      %parallel_loop3A_368 = arith.addi %parallel_loop3A_361, %add3A_21 : vector<16xi32>
      %parallel_loop3A_369 = tpu.vector_load_idx %arg7[%parallel_loop3A_368] : memref<9216xf32, #tpu.memory_space<vmem>>[vector<16xi32>], vector<16xf32>,
      %parallel_loop3A_370 = arith.mulf %parallel_loop3A_369, %parallel_loop3A_357 : vector<16xf32>
      %parallel_loop3A_371 = arith.addf %parallel_loop3A_370, %parallel_loop3A_367 : vector<16xf32>
      %parallel_loop3A_372 = arith.mulf %parallel_loop3A_371, %parallel_loop3A_357 : vector<16xf32>
      %parallel_loop3A_373 = arith.addf %parallel_loop3A_372, %parallel_loop3A_365 : vector<16xf32>
      %parallel_loop3A_374 = arith.mulf %parallel_loop3A_373, %parallel_loop3A_357 : vector<16xf32>
      %parallel_loop3A_375 = arith.addf %parallel_loop3A_374, %parallel_loop3A_363 : vector<16xf32>
      %parallel_loop3A_376 = arith.addf %parallel_loop3A_353, %parallel_loop3A_375 : vector<16xf32>
      %parallel_loop3A_377 = arith.constant 14 : i32
      %parallel_loop3A_378 = vector.broadcast %parallel_loop3A_377 : i32 to vector<16x1xi32>
      %parallel_loop3A_379 = vector.shape_cast %parallel_loop3A_378 : vector<16x1xi32> to vector<16xi32>
      %parallel_loop3A_380 = tpu.dynamic_gather %parallel_loop3A_48[%parallel_loop3A_379] in [0] : vector<16xf32>, vector<16xi32> -> vector<16xf32>
      %parallel_loop3A_381 = arith.constant 14 : i32
      %parallel_loop3A_382 = vector.broadcast %parallel_loop3A_381 : i32 to vector<16x1xi32>
      %parallel_loop3A_383 = vector.shape_cast %parallel_loop3A_382 : vector<16x1xi32> to vector<16xi32>
      %parallel_loop3A_384 = tpu.dynamic_gather %parallel_loop3A_52[%parallel_loop3A_383] in [0] : vector<16xi32>, vector<16xi32> -> vector<16xi32>
      %parallel_loop3A_385 = arith.addi %parallel_loop3A_384, %add3A_12 : vector<16xi32>
      %parallel_loop3A_386 = tpu.vector_load_idx %arg7[%parallel_loop3A_385] : memref<9216xf32, #tpu.memory_space<vmem>>[vector<16xi32>], vector<16xf32>,
      %parallel_loop3A_387 = arith.addi %parallel_loop3A_384, %add3A_15 : vector<16xi32>
      %parallel_loop3A_388 = tpu.vector_load_idx %arg7[%parallel_loop3A_387] : memref<9216xf32, #tpu.memory_space<vmem>>[vector<16xi32>], vector<16xf32>,
      %parallel_loop3A_389 = arith.addi %parallel_loop3A_384, %add3A_18 : vector<16xi32>
      %parallel_loop3A_390 = tpu.vector_load_idx %arg7[%parallel_loop3A_389] : memref<9216xf32, #tpu.memory_space<vmem>>[vector<16xi32>], vector<16xf32>,
      %parallel_loop3A_391 = arith.addi %parallel_loop3A_384, %add3A_21 : vector<16xi32>
      %parallel_loop3A_392 = tpu.vector_load_idx %arg7[%parallel_loop3A_391] : memref<9216xf32, #tpu.memory_space<vmem>>[vector<16xi32>], vector<16xf32>,
      %parallel_loop3A_393 = arith.mulf %parallel_loop3A_392, %parallel_loop3A_380 : vector<16xf32>
      %parallel_loop3A_394 = arith.addf %parallel_loop3A_393, %parallel_loop3A_390 : vector<16xf32>
      %parallel_loop3A_395 = arith.mulf %parallel_loop3A_394, %parallel_loop3A_380 : vector<16xf32>
      %parallel_loop3A_396 = arith.addf %parallel_loop3A_395, %parallel_loop3A_388 : vector<16xf32>
      %parallel_loop3A_397 = arith.mulf %parallel_loop3A_396, %parallel_loop3A_380 : vector<16xf32>
      %parallel_loop3A_398 = arith.addf %parallel_loop3A_397, %parallel_loop3A_386 : vector<16xf32>
      %parallel_loop3A_399 = arith.addf %parallel_loop3A_376, %parallel_loop3A_398 : vector<16xf32>
      %parallel_loop3A_400 = arith.constant 15 : i32
      %parallel_loop3A_401 = vector.broadcast %parallel_loop3A_400 : i32 to vector<16x1xi32>
      %parallel_loop3A_402 = vector.shape_cast %parallel_loop3A_401 : vector<16x1xi32> to vector<16xi32>
      %parallel_loop3A_403 = tpu.dynamic_gather %parallel_loop3A_48[%parallel_loop3A_402] in [0] : vector<16xf32>, vector<16xi32> -> vector<16xf32>
      %parallel_loop3A_404 = arith.constant 15 : i32
      %parallel_loop3A_405 = vector.broadcast %parallel_loop3A_404 : i32 to vector<16x1xi32>
      %parallel_loop3A_406 = vector.shape_cast %parallel_loop3A_405 : vector<16x1xi32> to vector<16xi32>
      %parallel_loop3A_407 = tpu.dynamic_gather %parallel_loop3A_52[%parallel_loop3A_406] in [0] : vector<16xi32>, vector<16xi32> -> vector<16xi32>
      %parallel_loop3A_408 = arith.addi %parallel_loop3A_407, %add3A_12 : vector<16xi32>
      %parallel_loop3A_409 = tpu.vector_load_idx %arg7[%parallel_loop3A_408] : memref<9216xf32, #tpu.memory_space<vmem>>[vector<16xi32>], vector<16xf32>,
      %parallel_loop3A_410 = arith.addi %parallel_loop3A_407, %add3A_15 : vector<16xi32>
      %parallel_loop3A_411 = tpu.vector_load_idx %arg7[%parallel_loop3A_410] : memref<9216xf32, #tpu.memory_space<vmem>>[vector<16xi32>], vector<16xf32>,
      %parallel_loop3A_412 = arith.addi %parallel_loop3A_407, %add3A_18 : vector<16xi32>
      %parallel_loop3A_413 = tpu.vector_load_idx %arg7[%parallel_loop3A_412] : memref<9216xf32, #tpu.memory_space<vmem>>[vector<16xi32>], vector<16xf32>,
      %parallel_loop3A_414 = arith.addi %parallel_loop3A_407, %add3A_21 : vector<16xi32>
      %parallel_loop3A_415 = tpu.vector_load_idx %arg7[%parallel_loop3A_414] : memref<9216xf32, #tpu.memory_space<vmem>>[vector<16xi32>], vector<16xf32>,
      %parallel_loop3A_416 = arith.mulf %parallel_loop3A_415, %parallel_loop3A_403 : vector<16xf32>
      %parallel_loop3A_417 = arith.addf %parallel_loop3A_416, %parallel_loop3A_413 : vector<16xf32>
      %parallel_loop3A_418 = arith.mulf %parallel_loop3A_417, %parallel_loop3A_403 : vector<16xf32>
      %parallel_loop3A_419 = arith.addf %parallel_loop3A_418, %parallel_loop3A_411 : vector<16xf32>
      %parallel_loop3A_420 = arith.mulf %parallel_loop3A_419, %parallel_loop3A_403 : vector<16xf32>
      %parallel_loop3A_421 = arith.addf %parallel_loop3A_420, %parallel_loop3A_409 : vector<16xf32>
      %parallel_loop3A_422 = arith.addf %parallel_loop3A_399, %parallel_loop3A_421 : vector<16xf32>
      %parallel_loop3A_423 = arith.mulf %parallel_loop3A_422, %get3A_9 : vector<16xf32>
      %parallel_loop3A_424 = arith.index_cast %parallel_loop3A_27 : i32 to index
      %parallel_loop3A_425 = arith.constant 0 : index
      %parallel_loop3A_426 = tpu.vector_load %arg6[%parallel_loop3A_424, %parallel_loop3A_425] {strides = array<i32>} : memref<512x16xf32, #tpu.memory_space<vmem>>, vector<16xf32>,
      tpu.vector_store %arg6[%parallel_loop3A_424, %parallel_loop3A_425], %parallel_loop3A_423 {strides = array<i32>} : memref<512x16xf32, #tpu.memory_space<vmem>>, vector<16xf32>,
    } {sc.loop_unroll_factor = 8 : i64, sc.parallel_access}
    "tpu.region"() ({
      %run_scoped3A = tpu.sem_alloc : memref<!tpu.dma_semaphore, #tpu.memory_space<semaphore_mem>>
      %dma_start3A_27 = arith.constant 0 : i32
      %dma_start3A_28 = tpu.memref_slice %arg5[%mul3A_2, %dma_start3A_27] : memref<16384x16xf32, #tpu.memory_space<hbm>> -> memref<512x16xf32, #tpu.memory_space<hbm>>
      %dma_start3A_29 = arith.constant 0 : i32
      %dma_start3A_30 = tpu.memref_slice %arg5[%mul3A_2, %dma_start3A_29] : memref<16384x16xf32, #tpu.memory_space<hbm>> -> memref<512x16xf32, #tpu.memory_space<hbm>>
      tpu.enqueue_dma source(%arg6 : memref<512x16xf32, #tpu.memory_space<vmem>>) target(%dma_start3A_30 : memref<512x16xf32, #tpu.memory_space<hbm>>) target_semaphore(%run_scoped3A : memref<!tpu.dma_semaphore, #tpu.memory_space<semaphore_mem>>)
      %dma_wait3A_31 = arith.constant 0 : i32
      %dma_wait3A_32 = tpu.memref_slice %arg5[%mul3A_2, %dma_wait3A_31] : memref<16384x16xf32, #tpu.memory_space<hbm>> -> memref<512x16xf32, #tpu.memory_space<hbm>>
      %dma_wait3A_33 = arith.constant 0 : i32
      %dma_wait3A_34 = tpu.memref_slice %arg5[%mul3A_2, %dma_wait3A_33] : memref<16384x16xf32, #tpu.memory_space<hbm>> -> memref<512x16xf32, #tpu.memory_space<hbm>>
      tpu.wait_dma2 semaphore(%run_scoped3A : memref<!tpu.dma_semaphore, #tpu.memory_space<semaphore_mem>>) src(%arg6 : memref<512x16xf32, #tpu.memory_space<vmem>>) dst(%dma_wait3A_34 : memref<512x16xf32, #tpu.memory_space<hbm>>)
      tpu.yield
    }) : () -> ()
    return
  }
}

</mosaic_0001>

<sc_bundles>
// kernel: kernel.3.cloned.1.call-start
scs
__scs_entry_jumppad:
0x0: {  	(pc) =	sbr.rel $0x88, $3  }
0x1: {  	(tag) =	ssettag $0x0;
	lr =	simm.s32 $0x1  }
0x2: {  	[smem:$0x3F9E] =	sst lr;
	_ =	strace $0xD0000000  }
0x3: {  	_ = 	snop  }
0x4: {  	_ = 	snop  }
0x5: {  	_ = 	snop  }
0x6: {  	_ = 	snop  }
0x7: {  	_ = 	snop  }
__scs_overlays_trampoline_lowered:
0x8: {  	[smem:$0x3FAD] =	sst s0  }
0x9: {  	[smem:$0x3FAE] =	sst s1  }
0xa: {  	[smem:$0x3FAF] =	sst s2  }
0xb: {  	[smem:$0x3FB0] =	sst s3  }
0xc: {  	[smem:$0x3FB1] =	sst s4  }
0xd: {  	[smem:$0x3FB2] =	sst s5  }
0xe: {  	[smem:$0x3FB3] =	sst s6  }
0xf: {  	[smem:$0x3FB4] =	sst s7  }
0x10: {  	[smem:$0x3FB5] =	sst s8  }
0x11: {  	[smem:$0x3FB6] =	sst s9;
	s0 =	simm.s32 @!p0 $0x0  }
0x12: {  	s1 =	sld [smem:$0x3F9C];
	s0 =	simm.s32 @p0 $0x1  }
0x13: {  	[smem:$0x3FB7] =	sst s0;
	s0 =	simm.s32 @!p1 $0x0  }
0x14: {  	s2 =	sld [smem:$0x3F9B];
	s0 =	simm.s32 @p1 $0x1  }
0x15: {  	[smem:$0x3FB8] =	sst s0;
	s0 =	simm.s32 @!p2 $0x0  }
0x16: {  	s3 =	sld [smem:$0x3FDB];
	s0 =	simm.s32 @p2 $0x1  }
0x17: {  	s4 =	simm.s32 $0x1BF5;
	[smem:$0x3FBA] =	sst s0  }
0x18: {  	s0 =	sld [smem:$0x3F9D];
	_ =	swait.ge [sflag:s4], $0x0  }
0x19: {  	s7 =	sld [smem:$0x3F9E]  }
0x1a: {  	s8 =	sadd.s32 $0xFFFFE003, lr  }
0x1b: {  	s9 =	sadd.s32 $0xFFFFFEF7, lr;
	s5 =	simm.s32 $0xFFFFFFFF;
	p2 =	slt.u32 s8, $0xFFFFF086  }
0x1c: {  	p1 =	slt.u32 s9, $0xF7A;
	s5 =	simm.s32 @!p2 $0x0  }
0x1d: {  	s5 =	simm.s32 @p1 $0x1;
	p0 =	seq.s32 s7, s2  }
0x1e: {  	s7 =	smul.u32 @!p0 $0xF7A, s2;
	p2 =	seq.s32 @!p0 s5, $0x0  }
0x1f: {  	s9 =	smul.u32 $0xF7A, s1;
	s8 =	simm.s32 @!p0 $0x1BF5;
	p2 =	por !p2, p0  }
0x20: {  	[sflag:s8] =	ssyncset.s32 @!p0 $0xFFFFF086;
	s6 =	sadd.s32 @!p0 s3, s7;
	s7 =	simm.s32 @!p0 $0x108  }
0x21: {  	s3 =	sadd.s32 s3, s9;
	s6 =	sadd.s32 @!p0 $0x88, s6;
	s7 =	simm.s32 @p2 $0x1082  }
0x22: {  	[simem:s7], [sflag:s8] =	dma.local @!p0 [hbm:s6], $0xF7A  }
0x23: {  	s9 =	sor.u32 $0xD0000000, s2;
	s6 =	simm.s32 $0x108;
	_ =	swait.ge @!p0 [sflag:s8], $0x0  }
0x24: {  	s3 =	sadd.s32 $0x88, s3;
	s6 =	simm.s32 @!p1 $0x1082;
	[sflag:s4] =	ssyncset.s32 $0xFFFFF086  }
0x25: {  	[simem:s6], [sflag:s4] =	dma.local [hbm:s3], $0xF7A  }
0x26: {  	[smem:$0x3F9E] =	sst s1;
	(tag) =	ssettag s2;
	_ =	strace s9  }
0x27: {  	s1 =	sld [smem:$0x3FAE]  }
0x28: {  	s2 =	sld [smem:$0x3FAF]  }
0x29: {  	s4 =	sld [smem:$0x3FB1]  }
0x2a: {  	p0 =	seq.s32 s5, $0x0;
	s5 =	sld [smem:$0x3FB2]  }
0x2b: {  	s6 =	sld [smem:$0x3FB3]  }
0x2c: {  	s7 =	sld [smem:$0x3FB4]  }
0x2d: {  	s3 =	simm.s32 $0x108;
	s8 =	sld [smem:$0x3FB5]  }
0x2e: {  	s3 =	simm.s32 @!p0 $0x1082;
	s9 =	sld [smem:$0x3FB6]  }
0x2f: {  	lr =	sadd.s32 s0, s3;
	s0 =	sld [smem:$0x3FAD]  }
0x30: {  	s3 =	sld [smem:$0x3FB0]  }
0x31: {  	[smem:$0x3FB9] =	sst s10  }
0x32: {  	s10 =	sld [smem:$0x3FB7];
	_ =	sdelay $0x3  }
0x33: {  	p0 =	seq.s32 s10, $0x1;
	s10 =	sld [smem:$0x3FB9];
	_ =	sdelay $0x3  }
0x34: {  	[smem:$0x3FB9] =	sst s10  }
0x35: {  	s10 =	sld [smem:$0x3FB8];
	_ =	sdelay $0x3  }
0x36: {  	p1 =	seq.s32 s10, $0x1;
	s10 =	sld [smem:$0x3FB9];
	_ =	sdelay $0x3  }
0x37: {  	[smem:$0x3FB9] =	sst s10  }
0x38: {  	s10 =	sld [smem:$0x3FBA]  }
0x39: {  	_ = 	snop;
	(pc) =	sbr.ind lr, $3  }
0x3a: {  	_ = 	snop  }
0x3b: {  	_ = 	snop  }
0x3c: {  	p2 =	seq.s32 s10, $0x1;
	s10 =	sld [smem:$0x3FB9]  }
0x3d: {  	_ =	shalt  }
0x3e: {  	_ =	shalt  }
0x3f: {  	_ =	shalt  }
0x40: {  	_ =	shalt  }
0x41: {  	_ =	shalt  }
0x42: {  	_ =	shalt  }
0x43: {  	_ =	shalt  }
0x44: {  	_ =	shalt  }
0x45: {  	_ =	shalt  }
0x46: {  	_ =	shalt  }
0x47: {  	_ =	shalt  }
0x48: {  	_ =	shalt  }
0x49: {  	_ =	shalt  }
0x4a: {  	_ =	shalt  }
0x4b: {  	_ =	shalt  }
0x4c: {  	_ =	shalt  }
0x4d: {  	_ =	shalt  }
0x4e: {  	_ =	shalt  }
0x4f: {  	_ =	shalt  }
0x50: {  	_ =	shalt  }
0x51: {  	_ =	shalt  }
0x52: {  	_ =	shalt  }
0x53: {  	_ =	shalt  }
0x54: {  	_ =	shalt  }
0x55: {  	_ =	shalt  }
0x56: {  	_ =	shalt  }
0x57: {  	_ =	shalt  }
0x58: {  	_ =	shalt  }
0x59: {  	_ =	shalt  }
0x5a: {  	_ =	shalt  }
0x5b: {  	_ =	shalt  }
0x5c: {  	_ =	shalt  }
0x5d: {  	_ =	shalt  }
0x5e: {  	_ =	shalt  }
0x5f: {  	_ =	shalt  }
0x60: {  	_ =	shalt  }
0x61: {  	_ =	shalt  }
0x62: {  	_ =	shalt  }
0x63: {  	_ =	shalt  }
0x64: {  	_ =	shalt  }
0x65: {  	_ =	shalt  }
0x66: {  	_ =	shalt  }
0x67: {  	_ =	shalt  }
0x68: {  	_ =	shalt  }
0x69: {  	_ =	shalt  }
0x6a: {  	_ =	shalt  }
0x6b: {  	_ =	shalt  }
0x6c: {  	_ =	shalt  }
0x6d: {  	_ =	shalt  }
0x6e: {  	_ =	shalt  }
0x6f: {  	_ =	shalt  }
0x70: {  	_ =	shalt  }
0x71: {  	_ =	shalt  }
0x72: {  	_ =	shalt  }
0x73: {  	_ =	shalt  }
0x74: {  	_ =	shalt  }
0x75: {  	_ =	shalt  }
0x76: {  	_ =	shalt  }
0x77: {  	_ =	shalt  }
0x78: {  	_ =	shalt  }
0x79: {  	_ =	shalt  }
0x7a: {  	_ =	shalt  }
0x7b: {  	_ =	shalt  }
0x7c: {  	_ =	shalt  }
0x7d: {  	_ =	shalt  }
0x7e: {  	_ =	shalt  }
0x7f: {  	_ =	shalt  }
0x80: {  	_ =	shalt  }
0x81: {  	_ =	shalt  }
0x82: {  	_ =	shalt  }
0x83: {  	_ =	shalt  }
0x84: {  	_ =	shalt  }
0x85: {  	_ =	shalt  }
0x86: {  	_ =	shalt  }
0x87: {  	_ =	shalt  }
.Lfunc_end0:
.L_simem_size_0:
called_computation_lowered:
.L_overlay_start_0:
0x88: {  	s2 =	sld [smem:$0x3FD9]  }
0x89: {  	s3 =	sld [smem:$0x3FFE];
	_ =	sdelay $0x1  }
0x8a: {  	s1 =	srdreg.scid  }
0x8b: {  	s0 =	sand.u32 $0x1, s1  }
0x8c: {  	s17 =	sshll.u32 s0, $0xA;
	s2 =	sadd.s32 s3, s2  }
0x8d: {  	s2 =	sadd.s32 s2, s17  }
0x8e: {  	[smem:$0x3FC5] =	sst s2  }
0x8f: {  	_ = 	snop  }
0x90: {  	s2 =	sld [smem:$0x3FC7]  }
0x91: {  	s18 =	sld [smem:$0x3FD0];
	(tm) =	ssettm $0x1  }
0x92: {  	s4 =	sld [smem:$0x3FFB];
	_ =	sdelay $0x3  }
0x93: {  	_ =	strace s4  }
0x94: {  	s4 =	sld [smem:$0x3FFC];
	_ =	sdelay $0x3  }
0x95: {  	_ =	strace s4  }
0x96: {  	s4 =	sld [smem:$0x3FFD];
	_ =	sdelay $0x3  }
0x97: {  	_ =	strace s4  }
0x98: {  	_ =	strace $0x8FFFFFFF  }
0x99: {  	s19 =	sld [smem:$0x3FDB];
	_ =	sdelay $0x1  }
0x9a: {  	s5 =	simm.s32 $_scs_section_size  }
0x9b: {  	s6 =	simm.s32 $_size__tile_overlayer_lowered;
	s7 =	simm.s32 $_tile_overlayer_lowered  }
0x9c: {  	s22 =	simm.s32 $0x1BFF;
	s21 =	sshll.u32 s7, $0x1;
	s4 =	sadd.s32 s5, s19  }
0x9d: {  	s8 =	simm.s32 $0x0;
	s20 =	sshll.u32 s6, $0x1;
	s6 =	sadd.s32 s21, s4  }
0x9e: {  	[timem:s8], [sflag:s22] =	dma.local [hbm:s6], s20  }
0x9f: {  	_ =	swait.ge [sflag:s22], s20  }
0xa0: {  	s5 =	ssub.s32 $0x0, s20;
	[sflag:s22] =	ssyncset.done $0x0  }
0xa1: {  	[sflag:s22] =	ssyncadd.s32 s5;
	_ =	sdelay $0x1  }
0xa2: {  	s23 =	simm.s32 $0x1B8B  }
0xa3: {  	_ =	swait.ge [sflag:s23], $0x1  }
0xa4: {  	[sflag:s23] =	ssyncset.done $0x0  }
0xa5: {  	s25 =	simm.s32 $0x1B8E;
	s24 =	sld [smem:$0x3FFE];
	[sflag:s23] =	ssyncadd.s32 $0xFFFFFFFF  }
0xa6: {  	s26 =	simm.s32 $execute0_lowered;
	[smem:$0x3FD2] =	sst s25  }
0xa7: {  	s6 =	sshll.u32 s26, $0x1;
	_ =	strace $0x80000046;
	[dreg:$0x1] =	wrdreg $0xFFFFFFFF  }
0xa8: {  	s28 =	simm.s32 $_size_execute0_lowered;
	s4 =	sadd.s32 s4, s6;
	[dreg:$0x0] =	wrdreg $0x0  }
0xa9: {  	s6 =	sshll.u32 s28, $0x1;
	[dreg:$0x2] =	wrdreg s4  }
0xaa: {  	[dreg:$0x3] =	wrdreg s6  }
0xab: {  	[dreg:$0x4] =	wrdreg $0xC0  }
0xac: {  	_ =	task [dreg:s8], $0x5FFFF  }
0xad: {  	[dreg:$0x1] =	wrdreg $0xFFFFFFFF  }
0xae: {  	[dreg:$0x0] =	wrdreg $0x60  }
0xaf: {  	[dreg:$0x2] =	wrdreg s24  }
0xb0: {  	[dreg:$0x3] =	wrdreg s18  }
0xb1: {  	[dreg:$0x4] =	wrdreg s2  }
0xb2: {  	[dreg:$0x5] =	wrdreg $0x9  }
0xb3: {  	_ =	task.clear_ibuf [dreg:s8], $0x6FFFF;
	_ =	strace $0x90000046  }
0xb4: {  	s29 =	simm.s32 $0x9;
	_ =	strace $0x80000048  }
0xb5: {  	_ =	swait.ge [sflag:s29], $0x1  }
0xb6: {  	[sflag:s29] =	ssyncadd.s32 $0xFFFFFFFF  }
0xb7: {  	_ =	strace $0x90000048  }
0xb8: {  	_ =	sfence  }
0xb9: {  	s30 =	sld [smem:$0x0];
	_ =	sdelay $0x2  }
0xba: {  	s31 =	sshll.u32 s1, $0xD;
	s1 =	sshrl.u32 s1, $0x2  }
0xbb: {  	s3 =	sand.u32 $0x4000, s31;
	s1 =	sadd.s32 s1, s30  }
0xbc: {  	s0 =	sor.u32 s3, s0;
	s1 =	sshll.u32 s1, $0x11  }
0xbd: {  	s0 =	sor.u32 s1, s0  }
0xbe: {  	s0 =	sadd.s32 $0x8F2B, s0  }
0xbf: {  	[sflag:s0] =	ssyncadd.remote.s32 $0x1  }
0xc0: {  	_ =	sfence.sel $0xFFFF  }
0xc1: {  	[dreg:$0x0] =	wrdreg $0xFFFFFFFF;
	(pc) =	sbr.abs _section_cstart, $3  }
0xc2: {  	[dreg:$0x1] =	wrdreg $0xFFFFFFFF  }
0xc3: {  	_ =	task.clear_ibuf [dreg:s8], $0x2FFFF;
	_ =	strace $0x9FFFFFFF  }
0xc4: {  	(tm) =	ssettm $0x7FFFFFFF  }
0xc5: {  	_ =	shalt  }
tec
execute0_lowered:
.L_overlay_start_1:
0x0: {  	(tag) =	ssettag $0x1  }
0x1: {  	s5 =	rddreg [dreg:$0x0]  }
0x2: {  	s2 =	rddreg [dreg:$0x1]  }
0x3: {  	s3 =	rddreg [dreg:$0x2];
	s4 =	srdreg.scid  }
0x4: {  	s0 =	rddreg [dreg:$0x3];
	s1 =	stileid.u32;
	v0 =	vimm.s32 $0x8;
	v1 =	vimm.s32 $0x6;
	v2 =	vlaneseq.u32;
	s9 =	simm.s32 $0x12400  }
0x5: {  	v4 =	vimm.s32 $0x0;
	v8 =	vimm.s32 $0x1;
	v9 =	vimm.s32 $0x2;
	s10 =	simm.s32 $0x1;
	s11 =	simm.s32 $0x2;
	s12 =	simm.s32 $0x0  }
0x6: {  	v10 =	vimm.s32 $0x3;
	v11 =	vimm.s32 $0x4;
	v12 =	vimm.s32 $0x5;
	s6 =	sand.u32 $0x1, s4;
	s4 =	simm.s32 $0x0;
	s7 =	sshll.u32 s1, $0xE  }
0x7: {  	v13 =	vimm.s32 $0x7;
	v14 =	vimm.s32 $0x9;
	v15 =	vimm.s32 $0xA;
	s8 =	sshll.u32 s6, $0xD;
	[smem:$0x7FF] =	sst s4;
	s6 =	ssub.s32 $0x2, s6  }
0x8: {  	v16 =	vimm.s32 $0xB;
	v17 =	vimm.s32 $0xC;
	v18 =	vimm.s32 $0xD;
	s7 =	sor.u32 s8, s7;
	_ =	strace $0x80000047;
	s30 =	sshrl.u32 s6, $0x1  }
0x9: {  	v19 =	vimm.s32 $0xE;
	v20 =	vimm.s32 $0xF;
	v3 =	vmul.u32 $0x240, v2;
	s8 =	simm.s32 $0x10000;
	s7 =	sadd.s32 s7, s5;
	s31 =	ssub.s32 s6, s30  }
0xa: {  	v5 =	vor.u32 $0x10, v2;
	v6 =	vor.u32 $0x20, v2;
	v7 =	vor.u32 $0x30, v2;
	s5 =	sadd.s32 $0x400, s7;
	s6 =	sadd.s32 $0x40400, s7;
	s7 =	smax.u32 s31, $0x1  }
.LBB2_1:
0xb: {  	[tilespmem:s4], [sflag:$0x1] =	stream.linear.gather [hbm4b:s5+s4], $0x10000, $0x38;
	[tilespmem:$0x12480] =	vst v63  }
0xc: {  	_ = 	snop  }
0xd: {  	[tilespmem:s8], [sflag:$0x1] =	stream.linear.gather [hbm4b:s2+s4], $0x2400, $0x38;
	[tilespmem:$0x12480] =	vst v63  }
0xe: {  	_ = 	snop  }
0xf: {  	[tilespmem:s9], [sflag:$0x1] =	stream.linear.gather [hbm4b:s3+s4], $0x80, $0x38;
	[tilespmem:$0x12480] =	vst v63  }
0x10: {  	_ =	swait.ge [sflag:s10], $0x10000  }
0x11: {  	[sflag:s10] =	ssyncset.done $0x0  }
0x12: {  	[sflag:s10] =	ssyncadd.s32 $0xFFFF0000  }
0x13: {  	_ =	swait.ge [sflag:s10], $0x2400  }
0x14: {  	[sflag:s10] =	ssyncset.done $0x0  }
0x15: {  	[sflag:s10] =	ssyncadd.s32 $0xFFFFDC00  }
0x16: {  	_ =	swait.ge [sflag:s10], $0x80  }
0x17: {  	[sflag:s10] =	ssyncset.done $0x0  }
0x18: {  	[sflag:s10] =	ssyncadd.s32 $0xFFFFFF80  }
0x19: {  	s13 =	simm.s32 $0xFFFFFFF8;
	s14 =	simm.s32 $0x200;
	v21 =	vld [tilespmem:$0x12400]  }
.LBB2_2:
0x1a: {  	v22 =	vld [tilespmem:s14+$0xFFFFFE00];
	_ =	sdelay $0x4  }
0x1b: {  	v22 =	vmax.f32 v22, $-1.000000000e+00  }
0x1c: {  	v22 =	vmin.f32 v22, $1.000000000e+00  }
0x1d: {  	v22 =	vadd.f32 $1.000000000e+00, v22;
	_ =	sdelay $0x1  }
0x1e: {  	v22 =	vmul.f32 $4.500000000e+00, v22;
	_ =	sdelay $0x1  }
0x1f: {  	v23 =	vtrunc.f32 v22  }
0x20: {  	v23 =	vcvt.f32.s32 v23;
	_ =	sdelay $0x1  }
0x21: {  	vm0 =	vlt.s32 v23, $0x8  }
0x22: {  	v24 =	vnsel vm0, $0x8, v23  }
0x23: {  	v23 =	vshll.u32 v24, $0x6  }
0x24: {  	v23 =	vadd.s32 v3, v23  }
0x25: {  	v25 =	vperm.xlane v23, v4;
	_ =	sdelay $0x1  }
0x26: {  	v26 =	vadd.s32 v7, v25  }
0x27: {  	v27 =	vadd.s32 v6, v25  }
0x28: {  	v24 =	vcvt.s32.f32 v24;
	v29 =	vperm.xlane v23, v8;
	v28 =	vadd.s32 v2, v25  }
0x29: {  	v25 =	vadd.s32 v5, v25  }
0x2a: {  	v24 =	vsub.f32 v22, v24;
	v22 =	vadd.s32 v2, v29  }
0x2b: {  	v30 =	vadd.s32 v5, v29;
	v26 =	vld.idx.msk [tilespmem:v26+s8+$0x0], $0xffff  }
0x2c: {  	v33 =	vperm.xlane v23, v9;
	v32 =	vadd.s32 v6, v29;
	v27 =	vld.idx.msk [tilespmem:v27+s8+$0x0], $0xffff  }
0x2d: {  	v29 =	vadd.s32 v7, v29;
	v28 =	vld.idx.msk [tilespmem:v28+s8+$0x0], $0xffff  }
0x2e: {  	v36 =	vperm.xlane v23, v10;
	v35 =	vadd.s32 v5, v33;
	v25 =	vld.idx.msk [tilespmem:v25+s8+$0x0], $0xffff  }
0x2f: {  	v62 =	vadd.s32 v6, v33;
	v22 =	vld.idx.msk [tilespmem:v22+s8+$0x0], $0xffff  }
0x30: {  	v39 =	vperm.xlane v23, v11;
	v46 =	vadd.s32 v7, v36;
	v61 =	vld.idx.msk [tilespmem:v30+s8+$0x0], $0xffff  }
0x31: {  	v31 =	vperm.xlane v24, v4;
	v34 =	vadd.s32 v2, v33;
	v33 =	vadd.s32 v7, v33;
	v32 =	vld.idx.msk [tilespmem:v32+s8+$0x0], $0xffff  }
0x32: {  	v37 =	vadd.s32 v2, v36;
	v38 =	vadd.s32 v5, v36;
	v36 =	vadd.s32 v6, v36;
	v29 =	vld.idx.msk [tilespmem:v29+s8+$0x0], $0xffff  }
0x33: {  	v48 =	vadd.s32 v7, v39;
	v63 =	vld.idx.msk [tilespmem:v35+s8+$0x0], $0xffff;
	v26 =	vmul.f32 v26, v31  }
0x34: {  	v42 =	vperm.xlane v23, v12;
	v40 =	vperm.xlane v24, v8;
	v30 =	vld.idx.msk [tilespmem:v62+s8+$0x0], $0xffff  }
0x35: {  	v41 =	vadd.s32 v2, v39;
	v50 =	vadd.s32 v6, v39;
	v35 =	vld.idx.msk [tilespmem:v46+s8+$0x0], $0xffff;
	v26 =	vadd.f32 v26, v27  }
0x36: {  	v51 =	vperm.xlane v24, v9;
	v39 =	vadd.s32 v5, v39;
	v43 =	vadd.s32 v2, v42;
	v47 =	vld.idx.msk [tilespmem:v33+s8+$0x0], $0xffff  }
0x37: {  	v44 =	vadd.s32 v5, v42;
	v36 =	vld.idx.msk [tilespmem:v36+s8+$0x0], $0xffff;
	v29 =	vmul.f32 v29, v40;
	v26 =	vmul.f32 v26, v31  }
0x38: {  	v45 =	vperm.xlane v24, v10;
	v55 =	vperm.xlane v24, v11;
	v33 =	vld.idx.msk [tilespmem:v48+s8+$0x0], $0xffff;
	v46 =	vadd.s32 v6, v42  }
0x39: {  	v49 =	vld.idx.msk [tilespmem:v38+s8+$0x0], $0xffff;
	v38 =	vperm.xlane v24, v13;
	v29 =	vadd.f32 v29, v32;
	v25 =	vadd.f32 v26, v25  }
0x3a: {  	v54 =	vadd.s32 v7, v42;
	v53 =	vld.idx.msk [tilespmem:v50+s8+$0x0], $0xffff;
	v42 =	vperm.xlane v24, v0;
	v35 =	vmul.f32 v35, v45  }
0x3b: {  	v34 =	vld.idx.msk [tilespmem:v34+s8+$0x0], $0xffff;
	v29 =	vmul.f32 v29, v40;
	v25 =	vmul.f32 v25, v31  }
0x3c: {  	v39 =	vld.idx.msk [tilespmem:v39+s8+$0x0], $0xffff;
	v31 =	vmul.f32 v47, v51;
	v47 =	vperm.xlane v23, v1  }
0x3d: {  	v33 =	vmul.f32 v33, v55;
	v59 =	vld.idx.msk [tilespmem:v46+s8+$0x0], $0xffff;
	v46 =	vperm.xlane v24, v15;
	v35 =	vadd.f32 v35, v36  }
0x3e: {  	v36 =	vld.idx.msk [tilespmem:v44+s8+$0x0], $0xffff;
	v44 =	vperm.xlane v23, v15;
	v27 =	vadd.f32 v29, v61;
	v57 =	vadd.s32 v5, v47  }
0x3f: {  	v37 =	vld.idx.msk [tilespmem:v37+s8+$0x0], $0xffff;
	v52 =	vadd.f32 v31, v30;
	v58 =	vadd.s32 v6, v47;
	v30 =	vadd.f32 v33, v53  }
0x40: {  	v41 =	vld.idx.msk [tilespmem:v41+s8+$0x0], $0xffff;
	v35 =	vmul.f32 v35, v45;
	v27 =	vmul.f32 v27, v40;
	v56 =	vadd.s32 v2, v47  }
0x41: {  	v40 =	vld.idx.msk [tilespmem:v43+s8+$0x0], $0xffff;
	v60 =	vadd.s32 v7, v47;
	v29 =	vmul.f32 v52, v51;
	v30 =	vmul.f32 v30, v55  }
0x42: {  	v61 =	vperm.xlane v23, v13;
	v25 =	vadd.f32 v25, v28;
	v31 =	vld.idx.msk [tilespmem:v54+s8+$0x0], $0xffff;
	v28 =	vadd.f32 v35, v49  }
0x43: {  	v49 =	vperm.xlane v23, v0;
	v26 =	vadd.f32 v29, v63;
	v30 =	vadd.f32 v30, v39;
	v32 =	vld.idx.msk [tilespmem:v57+s8+$0x0], $0xffff  }
0x44: {  	v22 =	vadd.f32 v27, v22;
	v25 =	vadd.f32 $0.0e+00, v25;
	v63 =	vadd.s32 v7, v61;
	v48 =	vld.idx.msk [tilespmem:v58+s8+$0x0], $0xffff  }
0x45: {  	v62 =	vmul.f32 v26, v51;
	v26 =	vld.idx.msk [tilespmem:v56+s8+$0x0], $0xffff;
	v51 =	vadd.s32 v7, v49;
	v53 =	vmul.f32 v30, v55  }
0x46: {  	v50 =	vadd.s32 v6, v61;
	v28 =	vmul.f32 v28, v45;
	v29 =	vld.idx.msk [tilespmem:v60+s8+$0x0], $0xffff;
	v55 =	vadd.s32 v6, v49  }
0x47: {  	v22 =	vadd.f32 v22, v25;
	v56 =	vadd.f32 v53, v41;
	v41 =	vperm.xlane v23, v14  }
0x48: {  	v58 =	vadd.s32 v5, v61;
	v25 =	vadd.f32 v62, v34;
	v34 =	vperm.xlane v24, v12  }
0x49: {  	v33 =	vadd.s32 v2, v61;
	v30 =	vperm.xlane v24, v1;
	v54 =	vld.idx.msk [tilespmem:v63+s8+$0x0], $0xffff;
	v63 =	vadd.s32 v7, v41  }
0x4a: {  	v52 =	vadd.f32 v28, v37;
	v53 =	vadd.s32 v6, v44;
	v31 =	vmul.f32 v31, v34;
	v60 =	vld.idx.msk [tilespmem:v51+s8+$0x0], $0xffff  }
0x4b: {  	v62 =	vadd.s32 v5, v49;
	v22 =	vadd.f32 v25, v22;
	v57 =	vmul.f32 v29, v30;
	v35 =	vld.idx.msk [tilespmem:v55+s8+$0x0], $0xffff  }
0x4c: {  	v43 =	vadd.s32 v2, v49;
	v55 =	vadd.s32 v5, v41;
	v27 =	vadd.f32 v31, v59;
	v59 =	vld.idx.msk [tilespmem:v50+s8+$0x0], $0xffff  }
0x4d: {  	v29 =	vld.idx.msk [tilespmem:v58+s8+$0x0], $0xffff;
	v22 =	vadd.f32 v52, v22;
	v50 =	vadd.s32 v7, v44;
	v28 =	vadd.f32 v57, v48  }
0x4e: {  	v47 =	vadd.s32 v2, v41;
	v48 =	vadd.s32 v6, v41;
	v27 =	vmul.f32 v27, v34;
	v52 =	vld.idx.msk [tilespmem:v63+s8+$0x0], $0xffff  }
0x4f: {  	v22 =	vadd.f32 v56, v22;
	v31 =	vmul.f32 v54, v38;
	v28 =	vmul.f32 v28, v30;
	v63 =	vld.idx.msk [tilespmem:v53+s8+$0x0], $0xffff  }
0x50: {  	v53 =	vadd.s32 v2, v44;
	v61 =	vadd.f32 v27, v36;
	v49 =	vmul.f32 v60, v42;
	v27 =	vld.idx.msk [tilespmem:v62+s8+$0x0], $0xffff  }
0x51: {  	v45 =	vld.idx.msk [tilespmem:v55+s8+$0x0], $0xffff;
	v55 =	vperm.xlane v24, v16;
	v31 =	vadd.f32 v31, v59;
	v28 =	vadd.f32 v28, v32  }
0x52: {  	v59 =	vld.idx.msk [tilespmem:v50+s8+$0x0], $0xffff;
	v25 =	vmul.f32 v61, v34;
	v51 =	vadd.f32 v49, v35;
	v35 =	vperm.xlane v23, v17  }
0x53: {  	v58 =	vld.idx.msk [tilespmem:v48+s8+$0x0], $0xffff;
	v61 =	vadd.s32 v5, v44;
	v31 =	vmul.f32 v31, v38;
	v28 =	vmul.f32 v28, v30  }
0x54: {  	v48 =	vld [tilespmem:s14+$0xFFFFFE80];
	v25 =	vadd.f32 v25, v40;
	v40 =	vperm.xlane v23, v16;
	v57 =	vmul.f32 v51, v42  }
0x55: {  	v33 =	vld.idx.msk [tilespmem:v33+s8+$0x0], $0xffff;
	v56 =	vadd.f32 v31, v29;
	v26 =	vadd.f32 v28, v26;
	v28 =	vperm.xlane v24, v14  }
0x56: {  	v22 =	vadd.f32 v25, v22;
	v60 =	vadd.s32 v7, v40;
	v27 =	vadd.f32 v57, v27  }
0x57: {  	v54 =	vld.idx.msk [tilespmem:v43+s8+$0x0], $0xffff;
	v43 =	vadd.s32 v6, v40;
	v50 =	vmul.f32 v59, v46;
	v57 =	vadd.s32 v2, v40  }
0x58: {  	v25 =	vmul.f32 v56, v38;
	v62 =	vmul.f32 v52, v28;
	v52 =	vadd.s32 v5, v40  }
0x59: {  	v31 =	vmax.f32 v48, $-1.000000000e+00;
	v40 =	vperm.xlane v23, v19;
	v22 =	vadd.f32 v26, v22  }
0x5a: {  	v29 =	vld.idx.msk [tilespmem:v61+s8+$0x0], $0xffff;
	v27 =	vmul.f32 v27, v42;
	v31 =	vmin.f32 v31, $1.000000000e+00;
	v25 =	vadd.f32 v25, v33  }
0x5b: {  	v56 =	vld.idx.msk [tilespmem:v47+s8+$0x0], $0xffff;
	v26 =	vadd.f32 v62, v58;
	v58 =	vadd.s32 v7, v35;
	v31 =	vadd.f32 $1.000000000e+00, v31  }
0x5c: {  	v62 =	vadd.s32 v6, v35;
	v47 =	vadd.s32 v7, v40;
	v49 =	vadd.f32 v27, v54;
	v51 =	vld.idx.msk [tilespmem:v60+s8+$0x0], $0xffff  }
0x5d: {  	v27 =	vadd.f32 v50, v63;
	v26 =	vmul.f32 v26, v28;
	v54 =	vld.idx.msk [tilespmem:v43+s8+$0x0], $0xffff;
	v60 =	vperm.xlane v23, v18  }
0x5e: {  	v22 =	vadd.f32 v25, v22;
	v31 =	vmul.f32 $4.500000000e+00, v31;
	v44 =	vld.idx.msk [tilespmem:v57+s8+$0x0], $0xffff;
	v57 =	vperm.xlane v24, v18  }
0x5f: {  	v25 =	vld.idx.msk [tilespmem:v53+s8+$0x0], $0xffff;
	v27 =	vmul.f32 v27, v46;
	v26 =	vadd.f32 v26, v45;
	v63 =	vadd.s32 v7, v60  }
0x60: {  	v59 =	vld.idx.msk [tilespmem:v52+s8+$0x0], $0xffff;
	v52 =	vperm.xlane v24, v17;
	v22 =	vadd.f32 v49, v22;
	v45 =	vadd.s32 v6, v60  }
0x61: {  	v48 =	vtrunc.f32 v31;
	v27 =	vadd.f32 v27, v29;
	v26 =	vmul.f32 v26, v28  }
0x62: {  	v49 =	vadd.s32 v5, v35;
	v41 =	vcvt.f32.s32 v48;
	v30 =	vmul.f32 v51, v55  }
0x63: {  	v32 =	vadd.s32 v2, v60;
	v27 =	vmul.f32 v27, v46;
	v26 =	vadd.f32 v26, v56;
	v56 =	vld.idx.msk [tilespmem:v47+s8+$0x0], $0xffff  }
0x64: {  	v51 =	vadd.s32 v6, v40;
	vm9 =	vlt.s32 v41, $0x8;
	v61 =	vadd.f32 v30, v54;
	v53 =	vld.idx.msk [tilespmem:v63+s8+$0x0], $0xffff  }
0x65: {  	v46 =	vld.idx.msk [tilespmem:v58+s8+$0x0], $0xffff;
	v58 =	vadd.s32 v5, v40;
	v25 =	vadd.f32 v27, v25;
	v22 =	vadd.f32 v26, v22  }
0x66: {  	v41 =	vnsel vm9, $0x8, v41;
	v54 =	vadd.s32 v5, v60;
	v60 =	vperm.xlane v24, v19  }
0x67: {  	v38 =	vld.idx.msk [tilespmem:v45+s8+$0x0], $0xffff;
	v29 =	vmul.f32 v61, v55;
	v25 =	vadd.f32 v25, v22;
	v22 =	vshll.u32 v41, $0x6  }
0x68: {  	v50 =	vld.idx.msk [tilespmem:v62+s8+$0x0], $0xffff;
	v24 =	vperm.xlane v24, v20;
	v22 =	vadd.s32 v3, v22;
	v37 =	vmul.f32 v56, v60  }
0x69: {  	v28 =	vadd.f32 v29, v59;
	v59 =	vperm.xlane v22, v4;
	v33 =	vmul.f32 v53, v57  }
0x6a: {  	v35 =	vadd.s32 v2, v35;
	v27 =	vld.idx.msk [tilespmem:v51+s8+$0x0], $0xffff;
	v47 =	vperm.xlane v22, v8;
	v43 =	vperm.xlane v22, v11  }
0x6b: {  	v28 =	vmul.f32 v28, v55;
	v55 =	vmul.f32 v46, v52;
	v63 =	vadd.s32 v7, v59  }
0x6c: {  	v29 =	vld.idx.msk [tilespmem:v49+s8+$0x0], $0xffff;
	v33 =	vadd.f32 v33, v38;
	v45 =	vadd.s32 v6, v59;
	v51 =	vadd.s32 v7, v47  }
0x6d: {  	v62 =	vld.idx.msk [tilespmem:v54+s8+$0x0], $0xffff;
	v54 =	vadd.s32 v6, v47;
	v56 =	vadd.s32 v2, v59;
	v26 =	vadd.f32 v55, v50  }
0x6e: {  	v46 =	vld.idx.msk [tilespmem:v58+s8+$0x0], $0xffff;
	v36 =	vadd.s32 v2, v47;
	v28 =	vadd.f32 v28, v44;
	v44 =	vadd.s32 v2, v40  }
0x6f: {  	v35 =	vld.idx.msk [tilespmem:v35+s8+$0x0], $0xffff;
	v27 =	vadd.f32 v37, v27;
	v37 =	vperm.xlane v22, v9;
	v61 =	vmul.f32 v26, v52  }
0x70: {  	v48 =	vld.idx.msk [tilespmem:v32+s8+$0x0], $0xffff;
	v28 =	vadd.f32 v28, v25;
	v25 =	vperm.xlane v23, v20;
	v23 =	vmul.f32 v33, v57  }
0x71: {  	v50 =	vcvt.s32.f32 v41;
	v27 =	vmul.f32 v27, v60;
	v55 =	vadd.s32 v7, v37;
	v34 =	vld.idx.msk [tilespmem:v63+s8+$0x0], $0xffff  }
0x72: {  	v29 =	vadd.f32 v61, v29;
	v49 =	vadd.s32 v7, v25;
	v26 =	vadd.f32 v23, v62;
	v53 =	vld.idx.msk [tilespmem:v45+s8+$0x0], $0xffff  }
0x73: {  	v23 =	vsub.f32 v31, v50;
	v27 =	vadd.f32 v27, v46;
	v58 =	vld.idx.msk [tilespmem:v51+s8+$0x0], $0xffff;
	v46 =	vperm.xlane v22, v0  }
0x74: {  	v38 =	vld.idx.msk [tilespmem:v44+s8+$0x0], $0xffff;
	v44 =	vperm.xlane v22, v13;
	v29 =	vmul.f32 v29, v52;
	v52 =	vadd.s32 v5, v59  }
0x75: {  	v62 =	vld.idx.msk [tilespmem:v54+s8+$0x0], $0xffff;
	v26 =	vmul.f32 v26, v57;
	v33 =	vperm.xlane v23, v4;
	v59 =	vadd.s32 v6, v37  }
0x76: {  	v36 =	vld.idx.msk [tilespmem:v36+s8+$0x0], $0xffff;
	v27 =	vmul.f32 v27, v60;
	v63 =	vperm.xlane v23, v8;
	v29 =	vadd.f32 v29, v35  }
0x77: {  	v61 =	vadd.s32 v5, v47;
	v45 =	vperm.xlane v23, v10;
	v47 =	vperm.xlane v23, v11;
	v40 =	vld.idx.msk [tilespmem:v55+s8+$0x0], $0xffff  }
0x78: {  	v55 =	vadd.s32 v7, v43;
	v57 =	vmul.f32 v34, v33;
	v28 =	vadd.f32 v29, v28;
	v29 =	vld.idx.msk [tilespmem:v49+s8+$0x0], $0xffff  }
0x79: {  	v26 =	vadd.f32 v26, v48;
	v48 =	vadd.s32 v5, v37;
	v37 =	vadd.s32 v2, v37;
	v60 =	vld.idx.msk [tilespmem:v52+s8+$0x0], $0xffff  }
0x7a: {  	v27 =	vadd.f32 v27, v38;
	v38 =	vperm.xlane v22, v10;
	v32 =	vadd.f32 v57, v53;
	v41 =	vld.idx.msk [tilespmem:v59+s8+$0x0], $0xffff  }
0x7b: {  	v34 =	vmul.f32 v58, v63;
	v49 =	vld.idx.msk [tilespmem:v56+s8+$0x0], $0xffff;
	v56 =	vadd.s32 v6, v25;
	v52 =	vperm.xlane v23, v9  }
0x7c: {  	v39 =	vperm.xlane v23, v0;
	v31 =	vld.idx.msk [tilespmem:v61+s8+$0x0], $0xffff;
	v51 =	vadd.s32 v7, v38;
	v50 =	vmul.f32 v32, v33  }
0x7d: {  	v54 =	vadd.f32 v34, v62;
	v53 =	vadd.s32 v6, v38;
	v34 =	vld.idx.msk [tilespmem:v55+s8+$0x0], $0xffff;
	v40 =	vmul.f32 v40, v52  }
0x7e: {  	v57 =	vadd.s32 v6, v43;
	v26 =	vadd.f32 v26, v28;
	v42 =	vld.idx.msk [tilespmem:v48+s8+$0x0], $0xffff;
	v28 =	vadd.f32 v50, v60  }
0x7f: {  	v59 =	vadd.s32 v5, v38;
	v30 =	vmul.f32 v54, v63;
	v37 =	vld.idx.msk [tilespmem:v37+s8+$0x0], $0xffff;
	v40 =	vadd.f32 v40, v41  }
0x80: {  	v38 =	vadd.s32 v2, v38;
	v35 =	vld.idx.msk [tilespmem:v56+s8+$0x0], $0xffff;
	v41 =	vperm.xlane v22, v12;
	v28 =	vmul.f32 v28, v33  }
0x81: {  	v62 =	vadd.s32 v5, v43;
	v58 =	vadd.f32 v30, v31;
	v32 =	vld.idx.msk [tilespmem:v51+s8+$0x0], $0xffff;
	v40 =	vmul.f32 v40, v52  }
0x82: {  	v26 =	vadd.f32 v27, v26;
	v60 =	vld.idx.msk [tilespmem:v53+s8+$0x0], $0xffff;
	v61 =	vadd.s32 v7, v41;
	v27 =	vadd.f32 v28, v49  }
0x83: {  	v33 =	vld.idx.msk [tilespmem:v57+s8+$0x0], $0xffff;
	v28 =	vmul.f32 v58, v63;
	v40 =	vadd.f32 v40, v42;
	v63 =	vadd.s32 v6, v41  }
0x84: {  	v48 =	vperm.xlane v22, v1;
	v29 =	vmul.f32 v29, v24;
	v30 =	vld.idx.msk [tilespmem:v59+s8+$0x0], $0xffff;
	v58 =	vadd.s32 v5, v41  }
0x85: {  	v53 =	vmul.f32 v34, v47;
	v38 =	vld.idx.msk [tilespmem:v38+s8+$0x0], $0xffff;
	v51 =	vmul.f32 v40, v52;
	v52 =	vadd.s32 v2, v43  }
0x86: {  	v55 =	vadd.s32 v7, v48;
	v57 =	vld.idx.msk [tilespmem:v62+s8+$0x0], $0xffff;
	v42 =	vperm.xlane v23, v12;
	v32 =	vmul.f32 v32, v45  }
0x87: {  	v41 =	vadd.s32 v2, v41;
	v27 =	vadd.f32 $0.0e+00, v27;
	v28 =	vadd.f32 v28, v36;
	v54 =	vld.idx.msk [tilespmem:v61+s8+$0x0], $0xffff  }
0x88: {  	v31 =	vadd.f32 v32, v60;
	v32 =	vadd.f32 v53, v33;
	v60 =	vadd.s32 v6, v48;
	v59 =	vld.idx.msk [tilespmem:v63+s8+$0x0], $0xffff  }
0x89: {  	v49 =	vperm.xlane v22, v14;
	v56 =	vadd.f32 v51, v37;
	v53 =	vadd.s32 v7, v44;
	v37 =	vld.idx.msk [tilespmem:v58+s8+$0x0], $0xffff  }
0x8a: {  	v27 =	vadd.f32 v28, v27;
	v63 =	vadd.s32 v2, v48;
	v32 =	vmul.f32 v32, v47;
	v62 =	vld.idx.msk [tilespmem:v52+s8+$0x0], $0xffff  }
0x8b: {  	v29 =	vadd.f32 v29, v35;
	v58 =	vadd.s32 v7, v46;
	v31 =	vmul.f32 v31, v45;
	v52 =	vld.idx.msk [tilespmem:v55+s8+$0x0], $0xffff  }
0x8c: {  	v27 =	vadd.f32 v56, v27;
	v56 =	vadd.s32 v6, v44;
	v32 =	vadd.f32 v32, v57;
	v57 =	vld.idx.msk [tilespmem:v41+s8+$0x0], $0xffff  }
0x8d: {  	v61 =	vadd.f32 v31, v30;
	v34 =	vmul.f32 v54, v42;
	v54 =	vadd.s32 v5, v48;
	v55 =	vld.idx.msk [tilespmem:v60+s8+$0x0], $0xffff  }
0x8e: {  	v50 =	vadd.s32 v6, v49;
	v41 =	vperm.xlane v23, v1;
	v43 =	vld.idx.msk [tilespmem:v53+s8+$0x0], $0xffff;
	v60 =	vadd.s32 v7, v49  }
0x8f: {  	v28 =	vmul.f32 v61, v45;
	v33 =	vadd.f32 v34, v59;
	v31 =	vld.idx.msk [tilespmem:v63+s8+$0x0], $0xffff;
	v59 =	vadd.s32 v6, v46  }
0x90: {  	v53 =	vadd.s32 v2, v44;
	v32 =	vmul.f32 v32, v47;
	v63 =	vadd.s32 v5, v44;
	v51 =	vld.idx.msk [tilespmem:v58+s8+$0x0], $0xffff  }
0x91: {  	v45 =	vperm.xlane v22, v15;
	v36 =	vld.idx.msk [tilespmem:v56+s8+$0x0], $0xffff;
	v28 =	vadd.f32 v28, v38;
	v33 =	vmul.f32 v33, v42  }
0x92: {  	v40 =	vmul.f32 v52, v41;
	v61 =	vadd.f32 v32, v62;
	v52 =	vadd.s32 v5, v46;
	v62 =	vld.idx.msk [tilespmem:v54+s8+$0x0], $0xffff  }
0x93: {  	v29 =	vmul.f32 v29, v24;
	v58 =	vadd.s32 v7, v45;
	v27 =	vadd.f32 v28, v27;
	v54 =	vld.idx.msk [tilespmem:v60+s8+$0x0], $0xffff  }
0x94: {  	v33 =	vadd.f32 v33, v37;
	v34 =	vadd.f32 v40, v55;
	v28 =	vperm.xlane v23, v13;
	v38 =	vld.idx.msk [tilespmem:v59+s8+$0x0], $0xffff  }
0x95: {  	v55 =	vadd.s32 v5, v49;
	v60 =	vadd.s32 v6, v45;
	v37 =	vperm.xlane v22, v16;
	v32 =	vld.idx.msk [tilespmem:v63+s8+$0x0], $0xffff  }
0x96: {  	v59 =	vadd.s32 v2, v46;
	v33 =	vmul.f32 v33, v42;
	v34 =	vmul.f32 v34, v41;
	v42 =	vld.idx.msk [tilespmem:v53+s8+$0x0], $0xffff  }
0x97: {  	v46 =	vperm.xlane v23, v14;
	v27 =	vadd.f32 v61, v27;
	v43 =	vmul.f32 v43, v28;
	v40 =	vld.idx.msk [tilespmem:v52+s8+$0x0], $0xffff  }
0x98: {  	v61 =	vadd.s32 v2, v49;
	v33 =	vadd.f32 v33, v57;
	v30 =	vadd.f32 v34, v62;
	v57 =	vld.idx.msk [tilespmem:v50+s8+$0x0], $0xffff  }
0x99: {  	v35 =	vmul.f32 v51, v39;
	v52 =	vadd.s32 v5, v45;
	v56 =	vadd.f32 v43, v36;
	v50 =	vld.idx.msk [tilespmem:v58+s8+$0x0], $0xffff  }
0x9a: {  	v62 =	vadd.s32 v5, v25;
	v44 =	vmul.f32 v54, v46;
	v63 =	vld.idx.msk [tilespmem:v55+s8+$0x0], $0xffff;
	v30 =	vmul.f32 v30, v41  }
0x9b: {  	v55 =	vld.idx.msk [tilespmem:v60+s8+$0x0], $0xffff;
	v34 =	vmul.f32 v56, v28;
	v35 =	vadd.f32 v35, v38;
	v27 =	vadd.f32 v33, v27  }
0x9c: {  	v51 =	vld.idx.msk [tilespmem:v59+s8+$0x0], $0xffff;
	v56 =	vadd.s32 v7, v37;
	v33 =	vperm.xlane v22, v17;
	v59 =	vadd.s32 v6, v37  }
0x9d: {  	v41 =	vadd.s32 v2, v25;
	v38 =	vld.idx.msk [tilespmem:v61+s8+$0x0], $0xffff;
	v32 =	vadd.f32 v34, v32;
	v30 =	vadd.f32 v30, v31  }
0x9e: {  	v47 =	vmul.f32 v35, v39;
	v60 =	vld.idx.msk [tilespmem:v52+s8+$0x0], $0xffff;
	v61 =	vadd.s32 v7, v33;
	v49 =	vadd.f32 v44, v57  }
0x9f: {  	v52 =	vperm.xlane v23, v16;
	v57 =	vld.idx.msk [tilespmem:v62+s8+$0x0], $0xffff;
	v62 =	vadd.s32 v2, v45;
	v44 =	vperm.xlane v22, v19  }
0xa0: {  	v28 =	vmul.f32 v32, v28;
	v53 =	vadd.f32 v47, v40;
	v54 =	vmul.f32 v49, v46  }
0xa1: {  	v27 =	vadd.f32 v30, v27;
	v40 =	vperm.xlane v23, v15;
	v48 =	vld.idx.msk [tilespmem:v56+s8+$0x0], $0xffff;
	v49 =	vadd.s32 v6, v33  }
0xa2: {  	v28 =	vadd.f32 v28, v42;
	v30 =	vmul.f32 v53, v39;
	v31 =	vadd.f32 v54, v63;
	v63 =	vld [tilespmem:s14+$0xFFFFFF00]  }
0xa3: {  	v35 =	vld.idx.msk [tilespmem:v59+s8+$0x0], $0xffff;
	v56 =	vadd.s32 v7, v44;
	v59 =	vadd.s32 v6, v44;
	v58 =	vmul.f32 v50, v40  }
0xa4: {  	v54 =	vadd.s32 v5, v33;
	v27 =	vadd.f32 v28, v27;
	v30 =	vadd.f32 v30, v51  }
0xa5: {  	v33 =	vadd.s32 v2, v33;
	v28 =	vadd.f32 v58, v55;
	v29 =	vadd.f32 v29, v57  }
0xa6: {  	v51 =	vadd.s32 v5, v37;
	v37 =	vadd.s32 v2, v37;
	v31 =	vmul.f32 v31, v46  }
0xa7: {  	v36 =	vld.idx.msk [tilespmem:v61+s8+$0x0], $0xffff;
	v46 =	vperm.xlane v23, v17;
	v27 =	vadd.f32 v30, v27;
	v34 =	vmax.f32 v63, $-1.000000000e+00  }
0xa8: {  	v50 =	vmul.f32 v28, v40;
	v28 =	vperm.xlane v22, v18;
	v34 =	vmin.f32 v34, $1.000000000e+00  }
0xa9: {  	v42 =	vld.idx.msk [tilespmem:v62+s8+$0x0], $0xffff;
	v24 =	vmul.f32 v29, v24;
	v47 =	vadd.f32 v31, v38;
	v34 =	vadd.f32 $1.000000000e+00, v34  }
0xaa: {  	v31 =	vmul.f32 v48, v52;
	v38 =	vld.idx.msk [tilespmem:v49+s8+$0x0], $0xffff;
	v48 =	vperm.xlane v23, v18;
	v53 =	vadd.s32 v7, v28  }
0xab: {  	v25 =	vadd.f32 v50, v60;
	v55 =	vadd.s32 v6, v28;
	v30 =	vld.idx.msk [tilespmem:v51+s8+$0x0], $0xffff;
	v34 =	vmul.f32 $4.500000000e+00, v34  }
0xac: {  	v49 =	vld.idx.msk [tilespmem:v56+s8+$0x0], $0xffff;
	v57 =	vmul.f32 v36, v46;
	v61 =	vadd.s32 v5, v28;
	v31 =	vadd.f32 v31, v35  }
0xad: {  	v60 =	vld.idx.msk [tilespmem:v54+s8+$0x0], $0xffff;
	v28 =	vadd.s32 v2, v28;
	v25 =	vmul.f32 v25, v40;
	v63 =	vtrunc.f32 v34  }
0xae: {  	v27 =	vadd.f32 v47, v27;
	v37 =	vld.idx.msk [tilespmem:v37+s8+$0x0], $0xffff;
	v31 =	vmul.f32 v31, v52;
	v43 =	vcvt.f32.s32 v63  }
0xaf: {  	v51 =	vadd.s32 v5, v44;
	v25 =	vadd.f32 v25, v42;
	v35 =	vadd.f32 v57, v38;
	v58 =	vld.idx.msk [tilespmem:v53+s8+$0x0], $0xffff  }
0xb0: {  	v39 =	vld.idx.msk [tilespmem:v59+s8+$0x0], $0xffff;
	v53 =	vperm.xlane v23, v19;
	v30 =	vadd.f32 v31, v30;
	vm10 =	vlt.s32 v43, $0x8  }
0xb1: {  	v62 =	vld.idx.msk [tilespmem:v55+s8+$0x0], $0xffff;
	v55 =	vadd.s32 v2, v44;
	v50 =	vmul.f32 v35, v46;
	v43 =	vnsel vm10, $0x8, v43  }
0xb2: {  	v27 =	vadd.f32 v25, v27;
	v30 =	vmul.f32 v30, v52;
	v54 =	vshll.u32 v43, $0x6  }
0xb3: {  	v33 =	vld.idx.msk [tilespmem:v33+s8+$0x0], $0xffff;
	v56 =	vmul.f32 v49, v53;
	v31 =	vadd.f32 v50, v60;
	v25 =	vadd.s32 v3, v54  }
0xb4: {  	v36 =	vmul.f32 v58, v48;
	v30 =	vadd.f32 v30, v37;
	v37 =	vperm.xlane v25, v4  }
0xb5: {  	v52 =	vld.idx.msk [tilespmem:v61+s8+$0x0], $0xffff;
	v57 =	vmul.f32 v31, v46;
	v58 =	vadd.f32 v56, v39;
	v39 =	vperm.xlane v22, v20  }
0xb6: {  	v36 =	vadd.f32 v36, v62;
	v62 =	vperm.xlane v25, v8;
	v60 =	vadd.s32 v7, v37  }
0xb7: {  	v35 =	vld.idx.msk [tilespmem:v51+s8+$0x0], $0xffff;
	v47 =	vcvt.s32.f32 v43;
	v27 =	vadd.f32 v30, v27;
	v22 =	vadd.s32 v6, v37  }
0xb8: {  	v61 =	vld.idx.msk [tilespmem:v41+s8+$0x0], $0xffff;
	v29 =	vadd.f32 v57, v33;
	v36 =	vmul.f32 v36, v48;
	v45 =	vadd.s32 v7, v62  }
0xb9: {  	v28 =	vld.idx.msk [tilespmem:v28+s8+$0x0], $0xffff;
	v31 =	vmul.f32 v58, v53;
	v46 =	vadd.s32 v7, v39;
	v41 =	vperm.xlane v25, v9  }
0xba: {  	v63 =	vld.idx.msk [tilespmem:v55+s8+$0x0], $0xffff;
	v43 =	vperm.xlane v25, v10;
	v49 =	vadd.s32 v5, v37;
	v59 =	vadd.f32 v36, v52  }
0xbb: {  	v27 =	vadd.f32 v29, v27;
	v54 =	vadd.s32 v6, v41;
	v32 =	vld.idx.msk [tilespmem:v60+s8+$0x0], $0xffff  }
0xbc: {  	v44 =	vadd.f32 v31, v35;
	v57 =	vadd.s32 v7, v43;
	v30 =	vmul.f32 v59, v48;
	v51 =	vld.idx.msk [tilespmem:v22+s8+$0x0], $0xffff  }
0xbd: {  	v37 =	vadd.s32 v2, v37;
	v33 =	vadd.s32 v2, v62;
	v36 =	vadd.f32 v24, v61;
	v31 =	vld.idx.msk [tilespmem:v45+s8+$0x0], $0xffff  }
0xbe: {  	v29 =	vmul.f32 v44, v53;
	v24 =	vsub.f32 v34, v47;
	v28 =	vadd.f32 v30, v28;
	v30 =	vld.idx.msk [tilespmem:v46+s8+$0x0], $0xffff  }
0xbf: {  	v52 =	vadd.s32 v7, v41;
	v53 =	vadd.s32 v5, v62;
	v61 =	vadd.s32 v5, v41;
	v34 =	vld.idx.msk [tilespmem:v49+s8+$0x0], $0xffff  }
0xc0: {  	v41 =	vadd.s32 v2, v41;
	v47 =	vperm.xlane v25, v1;
	v22 =	vadd.f32 v36, v26;
	v36 =	vld.idx.msk [tilespmem:v54+s8+$0x0], $0xffff  }
0xc1: {  	v44 =	vperm.xlane v25, v13;
	v48 =	vadd.s32 v6, v62;
	v50 =	vadd.f32 v29, v63;
	v40 =	vld.idx.msk [tilespmem:v57+s8+$0x0], $0xffff  }
0xc2: {  	v38 =	vperm.xlane v24, v4;
	v58 =	vperm.xlane v24, v8;
	v60 =	vadd.s32 v6, v43;
	v37 =	vld.idx.msk [tilespmem:v37+s8+$0x0], $0xffff  }
0xc3: {  	v62 =	vperm.xlane v24, v9;
	v26 =	vperm.xlane v23, v20;
	v23 =	vadd.s32 v2, v39;
	v33 =	vld.idx.msk [tilespmem:v33+s8+$0x0], $0xffff  }
0xc4: {  	v45 =	vperm.xlane v25, v11;
	v46 =	vadd.s32 v5, v39;
	v39 =	vadd.s32 v6, v39;
	v59 =	vld.idx.msk [tilespmem:v52+s8+$0x0], $0xffff  }
0xc5: {  	v49 =	vperm.xlane v25, v0;
	v42 =	vld.idx.msk [tilespmem:v53+s8+$0x0], $0xffff;
	v52 =	vadd.s32 v5, v43;
	v27 =	vadd.f32 v28, v27  }
0xc6: {  	v63 =	vadd.s32 v7, v45;
	v53 =	vadd.s32 v6, v45;
	v56 =	vld.idx.msk [tilespmem:v48+s8+$0x0], $0xffff;
	v48 =	vperm.xlane v24, v12  }
0xc7: {  	v27 =	vadd.f32 v50, v27;
	v50 =	vperm.xlane v24, v10;
	v55 =	vmul.f32 v32, v38;
	v35 =	vld.idx.msk [tilespmem:v60+s8+$0x0], $0xffff  }
0xc8: {  	v57 =	vadd.s32 v5, v45;
	v31 =	vmul.f32 v31, v58;
	v30 =	vmul.f32 v30, v26;
	v60 =	vld.idx.msk [tilespmem:v41+s8+$0x0], $0xffff  }
0xc9: {  	v45 =	vadd.s32 v2, v45;
	v41 =	vperm.xlane v24, v11;
	v39 =	vld.idx.msk [tilespmem:v39+s8+$0x0], $0xffff;
	v29 =	vmul.f32 v59, v62  }
0xca: {  	v54 =	vld.idx.msk [tilespmem:v61+s8+$0x0], $0xffff;
	v28 =	vadd.f32 v55, v51;
	v55 =	vadd.s32 v2, v43;
	v43 =	vperm.xlane v25, v12  }
0xcb: {  	v46 =	vld.idx.msk [tilespmem:v46+s8+$0x0], $0xffff;
	v40 =	vmul.f32 v40, v50;
	v51 =	vadd.s32 v7, v49;
	v31 =	vadd.f32 v31, v56  }
0xcc: {  	v23 =	vld.idx.msk [tilespmem:v23+s8+$0x0], $0xffff;
	v29 =	vadd.f32 v29, v36;
	v28 =	vmul.f32 v28, v38;
	v59 =	vadd.s32 v7, v43  }
0xcd: {  	v56 =	vld.idx.msk [tilespmem:v63+s8+$0x0], $0xffff;
	v61 =	vadd.s32 v6, v43;
	v31 =	vmul.f32 v31, v58;
	v35 =	vadd.f32 v40, v35  }
0xce: {  	v29 =	vmul.f32 v29, v62;
	v30 =	vadd.f32 v30, v39;
	v28 =	vadd.f32 v28, v34;
	v34 =	vld.idx.msk [tilespmem:v52+s8+$0x0], $0xffff  }
0xcf: {  	v52 =	vadd.s32 v5, v43;
	v43 =	vadd.s32 v2, v43;
	v31 =	vadd.f32 v31, v42;
	v36 =	vld.idx.msk [tilespmem:v55+s8+$0x0], $0xffff  }
0xd0: {  	v29 =	vadd.f32 v29, v54;
	v35 =	vmul.f32 v35, v50;
	v40 =	vld.idx.msk [tilespmem:v51+s8+$0x0], $0xffff;
	v51 =	vperm.xlane v25, v15  }
0xd1: {  	v55 =	vadd.s32 v7, v47;
	v30 =	vmul.f32 v30, v26;
	v31 =	vmul.f32 v31, v58;
	v58 =	vld.idx.msk [tilespmem:v53+s8+$0x0], $0xffff  }
0xd2: {  	v45 =	vld.idx.msk [tilespmem:v45+s8+$0x0], $0xffff;
	v28 =	vmul.f32 v28, v38;
	v42 =	vmul.f32 v56, v41  }
0xd3: {  	v63 =	vld.idx.msk [tilespmem:v57+s8+$0x0], $0xffff;
	v56 =	vadd.s32 v6, v47;
	v29 =	vmul.f32 v29, v62;
	v30 =	vadd.f32 v30, v46  }
0xd4: {  	v54 =	vld.idx.msk [tilespmem:v59+s8+$0x0], $0xffff;
	v59 =	vadd.s32 v7, v44;
	v28 =	vadd.f32 v28, v37;
	v62 =	vadd.f32 v35, v34  }
0xd5: {  	v31 =	vadd.f32 v31, v33;
	v29 =	vadd.f32 v29, v60;
	v39 =	vld.idx.msk [tilespmem:v43+s8+$0x0], $0xffff;
	v30 =	vmul.f32 v30, v26  }
0xd6: {  	v28 =	vadd.f32 $0.0e+00, v28;
	v32 =	vmul.f32 v62, v50;
	v50 =	vld.idx.msk [tilespmem:v55+s8+$0x0], $0xffff;
	v53 =	vadd.f32 v42, v58  }
0xd7: {  	v43 =	vperm.xlane v25, v14;
	v62 =	vadd.s32 v6, v44;
	v55 =	vadd.s32 v2, v47;
	v58 =	vld.idx.msk [tilespmem:v61+s8+$0x0], $0xffff  }
0xd8: {  	v23 =	vadd.f32 v30, v23;
	v28 =	vadd.f32 v31, v28;
	v61 =	vld.idx.msk [tilespmem:v52+s8+$0x0], $0xffff;
	v57 =	vmul.f32 v53, v41  }
0xd9: {  	v52 =	vadd.s32 v5, v47;
	v31 =	vld.idx.msk [tilespmem:v56+s8+$0x0], $0xffff;
	v56 =	vadd.s32 v5, v44;
	v47 =	vperm.xlane v24, v13  }
0xda: {  	v60 =	vadd.f32 v32, v36;
	v53 =	vld.idx.msk [tilespmem:v59+s8+$0x0], $0xffff;
	v33 =	vadd.f32 v57, v63;
	v63 =	vmul.f32 v54, v48  }
0xdb: {  	v23 =	vadd.f32 v23, v27;
	v28 =	vadd.f32 v29, v28;
	v54 =	vadd.s32 v6, v49  }
0xdc: {  	v35 =	vld.idx.msk [tilespmem:v62+s8+$0x0], $0xffff;
	v33 =	vmul.f32 v33, v41;
	v34 =	vadd.f32 v63, v58;
	v41 =	vperm.xlane v24, v1  }
0xdd: {  	v28 =	vadd.f32 v60, v28;
	v62 =	vadd.s32 v2, v44;
	v44 =	vperm.xlane v24, v0  }
0xde: {  	v57 =	vadd.s32 v7, v43;
	v29 =	vld.idx.msk [tilespmem:v52+s8+$0x0], $0xffff;
	v34 =	vmul.f32 v34, v48;
	v36 =	vmul.f32 v50, v41  }
0xdf: {  	v58 =	vadd.s32 v5, v49;
	v59 =	vmul.f32 v53, v47;
	v33 =	vadd.f32 v33, v45;
	v45 =	vld.idx.msk [tilespmem:v56+s8+$0x0], $0xffff  }
0xe0: {  	v63 =	vadd.s32 v2, v49;
	v60 =	vld.idx.msk [tilespmem:v54+s8+$0x0], $0xffff;
	v32 =	vadd.f32 v34, v61;
	v31 =	vadd.f32 v36, v31  }
0xe1: {  	v52 =	vmul.f32 v40, v44;
	v56 =	vadd.s32 v5, v43;
	v34 =	vadd.f32 v59, v35  }
0xe2: {  	v38 =	vld.idx.msk [tilespmem:v55+s8+$0x0], $0xffff;
	v61 =	vadd.s32 v6, v43;
	v32 =	vmul.f32 v32, v48;
	v31 =	vmul.f32 v31, v41  }
0xe3: {  	v53 =	vld.idx.msk [tilespmem:v57+s8+$0x0], $0xffff;
	v54 =	vadd.s32 v7, v51;
	v28 =	vadd.f32 v33, v28;
	v34 =	vmul.f32 v34, v47  }
0xe4: {  	v55 =	vld.idx.msk [tilespmem:v58+s8+$0x0], $0xffff;
	v58 =	vadd.s32 v6, v51;
	v32 =	vadd.f32 v32, v39;
	v29 =	vadd.f32 v31, v29  }
0xe5: {  	v59 =	vld.idx.msk [tilespmem:v62+s8+$0x0], $0xffff;
	v35 =	vadd.f32 v52, v60;
	v39 =	vperm.xlane v24, v14;
	v34 =	vadd.f32 v34, v45  }
0xe6: {  	v60 =	vld.idx.msk [tilespmem:v63+s8+$0x0], $0xffff;
	v45 =	vperm.xlane v25, v16;
	v63 =	vadd.s32 v5, v51;
	v52 =	vperm.xlane v24, v15  }
0xe7: {  	v57 =	vld.idx.msk [tilespmem:v61+s8+$0x0], $0xffff;
	v61 =	vadd.s32 v2, v43;
	v43 =	vperm.xlane v25, v17;
	v29 =	vmul.f32 v29, v41  }
0xe8: {  	v62 =	vld.idx.msk [tilespmem:v54+s8+$0x0], $0xffff;
	v28 =	vadd.f32 v32, v28;
	v35 =	vmul.f32 v35, v44;
	v40 =	vmul.f32 v53, v39  }
0xe9: {  	v33 =	vld.idx.msk [tilespmem:v56+s8+$0x0], $0xffff;
	v34 =	vmul.f32 v34, v47;
	v49 =	vadd.s32 v7, v45;
	v54 =	vadd.s32 v6, v45  }
0xea: {  	v48 =	vld.idx.msk [tilespmem:v58+s8+$0x0], $0xffff;
	v58 =	vadd.s32 v2, v51;
	v29 =	vadd.f32 v29, v38;
	v31 =	vadd.f32 v35, v55  }
0xeb: {  	v51 =	vperm.xlane v25, v18;
	v50 =	vadd.f32 v34, v59;
	v55 =	vld [tilespmem:s14+$0xFFFFFF80];
	v59 =	vadd.s32 v7, v43  }
0xec: {  	v38 =	vld.idx.msk [tilespmem:v63+s8+$0x0], $0xffff;
	v47 =	vadd.f32 v40, v57;
	v28 =	vadd.f32 v29, v28;
	v31 =	vmul.f32 v31, v44  }
0xed: {  	v41 =	vadd.s32 v2, v51;
	v56 =	vld.idx.msk [tilespmem:v61+s8+$0x0], $0xffff;
	v57 =	vmul.f32 v62, v52;
	v61 =	vadd.s32 v5, v45  }
0xee: {  	v37 =	vld.idx.msk [tilespmem:v49+s8+$0x0], $0xffff;
	v53 =	vmul.f32 v47, v39;
	v28 =	vadd.f32 v50, v28;
	v31 =	vadd.f32 v31, v60  }
0xef: {  	v62 =	vadd.s32 v6, v43;
	v49 =	vadd.s32 v2, v45;
	v36 =	vadd.f32 v57, v48  }
0xf0: {  	v35 =	vld.idx.msk [tilespmem:v54+s8+$0x0], $0xffff;
	v40 =	vmax.f32 v55, $-1.000000000e+00;
	v33 =	vadd.f32 v53, v33;
	v28 =	vadd.f32 v31, v28  }
0xf1: {  	v36 =	vmul.f32 v36, v52;
	v31 =	vperm.xlane v24, v16;
	v40 =	vmin.f32 v40, $1.000000000e+00  }
0xf2: {  	v63 =	vld.idx.msk [tilespmem:v58+s8+$0x0], $0xffff;
	v45 =	vperm.xlane v24, v18;
	v53 =	vadd.s32 v7, v51;
	v48 =	vadd.f32 $1.000000000e+00, v40  }
0xf3: {  	v50 =	vld.idx.msk [tilespmem:v59+s8+$0x0], $0xffff;
	v60 =	vmul.f32 v33, v39;
	v47 =	vadd.f32 v36, v38;
	v37 =	vmul.f32 v37, v31  }
0xf4: {  	v55 =	vadd.s32 v6, v51;
	v59 =	vadd.s32 v2, v43;
	v33 =	vld.idx.msk [tilespmem:v61+s8+$0x0], $0xffff;
	v36 =	vmul.f32 $4.500000000e+00, v48  }
0xf5: {  	v39 =	vld.idx.msk [tilespmem:v62+s8+$0x0], $0xffff;
	v29 =	vadd.f32 v60, v56;
	v32 =	vmul.f32 v47, v52;
	v35 =	vadd.f32 v37, v35  }
0xf6: {  	v52 =	vadd.s32 v5, v43;
	v37 =	vperm.xlane v24, v17;
	v54 =	vtrunc.f32 v36  }
0xf7: {  	v28 =	vadd.f32 v29, v28;
	v29 =	vperm.xlane v25, v19;
	v35 =	vmul.f32 v35, v31  }
0xf8: {  	v60 =	vld.idx.msk [tilespmem:v53+s8+$0x0], $0xffff;
	v44 =	vcvt.f32.s32 v54;
	v26 =	vadd.f32 v32, v63;
	v57 =	vmul.f32 v50, v37  }
0xf9: {  	v56 =	vld.idx.msk [tilespmem:v49+s8+$0x0], $0xffff;
	v63 =	vadd.s32 v5, v51;
	v58 =	vadd.s32 v7, v29;
	v33 =	vadd.f32 v35, v33  }
0xfa: {  	v50 =	vld.idx.msk [tilespmem:v55+s8+$0x0], $0xffff;
	vm11 =	vlt.s32 v44, $0x8;
	v38 =	vadd.f32 v57, v39;
	v61 =	vadd.s32 v6, v29  }
0xfb: {  	v28 =	vadd.f32 v26, v28;
	v34 =	vld.idx.msk [tilespmem:v52+s8+$0x0], $0xffff;
	v62 =	vnsel vm11, $0x8, v44;
	v52 =	vadd.s32 v5, v29  }
0xfc: {  	v48 =	vshll.u32 v62, $0x6;
	v31 =	vmul.f32 v33, v31;
	v49 =	vmul.f32 v38, v37  }
0xfd: {  	v53 =	vmul.f32 v60, v45;
	v43 =	vcvt.s32.f32 v62;
	v26 =	vadd.s32 v3, v48  }
0xfe: {  	v41 =	vld.idx.msk [tilespmem:v41+s8+$0x0], $0xffff;
	v38 =	vperm.xlane v25, v20;
	v46 =	vperm.xlane v26, v4;
	v31 =	vadd.f32 v31, v56  }
0xff: {  	v29 =	vadd.s32 v2, v29;
	v30 =	vadd.f32 v53, v50;
	v25 =	vsub.f32 v36, v43;
	v40 =	vld.idx.msk [tilespmem:v58+s8+$0x0], $0xffff  }
0x100: {  	v51 =	vld.idx.msk [tilespmem:v59+s8+$0x0], $0xffff;
	v53 =	vadd.s32 v6, v38;
	v47 =	vperm.xlane v26, v1;
	v55 =	vadd.s32 v7, v46  }
0x101: {  	v57 =	vld.idx.msk [tilespmem:v63+s8+$0x0], $0xffff;
	v42 =	vperm.xlane v26, v18;
	v33 =	vadd.f32 v49, v34;
	v59 =	vadd.s32 v6, v46  }
0x102: {  	v54 =	vld.idx.msk [tilespmem:v61+s8+$0x0], $0xffff;
	v58 =	vperm.xlane v24, v19;
	v24 =	vperm.xlane v24, v20;
	v49 =	vadd.s32 v5, v46  }
0x103: {  	v61 =	vadd.s32 v7, v38;
	v30 =	vmul.f32 v30, v45;
	v34 =	vld.idx.msk [tilespmem:v52+s8+$0x0], $0xffff;
	v56 =	vmul.f32 v33, v37  }
0x104: {  	v28 =	vadd.f32 v31, v28;
	v29 =	vld.idx.msk [tilespmem:v29+s8+$0x0], $0xffff;
	v60 =	vmul.f32 v40, v58;
	v40 =	vperm.xlane v26, v8  }
0x105: {  	v63 =	vld.idx.msk [tilespmem:v55+s8+$0x0], $0xffff;
	v55 =	vadd.s32 v2, v46;
	v46 =	vadd.s32 v2, v38;
	v38 =	vadd.s32 v5, v38  }
0x106: {  	v30 =	vadd.f32 v30, v57;
	v31 =	vadd.f32 v56, v51;
	v51 =	vld.idx.msk [tilespmem:v59+s8+$0x0], $0xffff;
	v48 =	vadd.s32 v7, v40  }
0x107: {  	v43 =	vperm.xlane v25, v4;
	v33 =	vld.idx.msk [tilespmem:v49+s8+$0x0], $0xffff;
	v62 =	vadd.f32 v60, v54;
	v52 =	vadd.s32 v6, v40  }
0x108: {  	v30 =	vmul.f32 v30, v45;
	v45 =	vperm.xlane v26, v9;
	v28 =	vadd.f32 v31, v28;
	v54 =	vld.idx.msk [tilespmem:v61+s8+$0x0], $0xffff  }
0x109: {  	v56 =	vadd.s32 v5, v40;
	v60 =	vperm.xlane v26, v10;
	v61 =	vld.idx.msk [tilespmem:v53+s8+$0x0], $0xffff;
	v50 =	vmul.f32 v62, v58  }
0x10a: {  	v30 =	vadd.f32 v30, v41;
	v57 =	vadd.s32 v7, v45;
	v40 =	vadd.s32 v2, v40;
	v38 =	vld.idx.msk [tilespmem:v38+s8+$0x0], $0xffff  }
0x10b: {  	v49 =	vadd.s32 v7, v60;
	v31 =	vadd.f32 v50, v34;
	v35 =	vmul.f32 v63, v43;
	v39 =	vld.idx.msk [tilespmem:v48+s8+$0x0], $0xffff  }
0x10c: {  	v53 =	vadd.s32 v5, v45;
	v27 =	vadd.f32 v30, v28;
	v59 =	vld.idx.msk [tilespmem:v52+s8+$0x0], $0xffff;
	v52 =	vperm.xlane v26, v11  }
0x10d: {  	v63 =	vadd.s32 v6, v45;
	v48 =	vld.idx.msk [tilespmem:v55+s8+$0x0], $0xffff;
	v31 =	vmul.f32 v31, v58;
	v58 =	vadd.f32 v35, v51  }
0x10e: {  	v62 =	vperm.xlane v25, v8;
	v41 =	vld.idx.msk [tilespmem:v56+s8+$0x0], $0xffff;
	v34 =	vmul.f32 v54, v24;
	v54 =	vadd.s32 v7, v52  }
0x10f: {  	v45 =	vadd.s32 v2, v45;
	v50 =	vld.idx.msk [tilespmem:v57+s8+$0x0], $0xffff;
	v51 =	vadd.s32 v6, v60;
	v30 =	vmul.f32 v58, v43  }
0x110: {  	v55 =	vadd.s32 v5, v60;
	v44 =	vld.idx.msk [tilespmem:v49+s8+$0x0], $0xffff;
	v56 =	vadd.s32 v6, v52;
	v49 =	vperm.xlane v26, v12  }
0x111: {  	v57 =	vld.idx.msk [tilespmem:v53+s8+$0x0], $0xffff;
	v28 =	vadd.f32 v31, v29;
	v39 =	vmul.f32 v39, v62;
	v30 =	vadd.f32 v30, v33  }
0x112: {  	v29 =	vadd.f32 v34, v61;
	v58 =	vadd.s32 v2, v60;
	v36 =	vld.idx.msk [tilespmem:v63+s8+$0x0], $0xffff;
	v61 =	vadd.s32 v7, v49  }
0x113: {  	v32 =	vadd.f32 v39, v59;
	v30 =	vmul.f32 v30, v43;
	v43 =	vperm.xlane v25, v9;
	v60 =	vld.idx.msk [tilespmem:v54+s8+$0x0], $0xffff  }
0x114: {  	v63 =	vadd.s32 v5, v52;
	v29 =	vmul.f32 v29, v24;
	v37 =	vld.idx.msk [tilespmem:v51+s8+$0x0], $0xffff;
	v51 =	vperm.xlane v26, v13  }
0x115: {  	v27 =	vadd.f32 v28, v27;
	v54 =	vld.idx.msk [tilespmem:v56+s8+$0x0], $0xffff;
	v32 =	vmul.f32 v32, v62;
	v33 =	vmul.f32 v50, v43  }
0x116: {  	v56 =	vld.idx.msk [tilespmem:v45+s8+$0x0], $0xffff;
	v45 =	vperm.xlane v25, v11;
	v30 =	vadd.f32 v30, v48;
	v48 =	vperm.xlane v25, v10  }
0x117: {  	v40 =	vld.idx.msk [tilespmem:v40+s8+$0x0], $0xffff;
	v39 =	vadd.s32 v2, v52;
	v32 =	vadd.f32 v32, v41;
	v33 =	vadd.f32 v33, v36  }
0x118: {  	v29 =	vadd.f32 v29, v38;
	v59 =	vmul.f32 v44, v48;
	v36 =	vmul.f32 v60, v45  }
0x119: {  	v31 =	vmul.f32 v32, v62;
	v33 =	vmul.f32 v33, v43;
	v62 =	vld.idx.msk [tilespmem:v55+s8+$0x0], $0xffff;
	v55 =	vadd.s32 v6, v49  }
0x11a: {  	v52 =	vadd.s32 v6, v51;
	v30 =	vadd.f32 $0.0e+00, v30;
	v44 =	vld.idx.msk [tilespmem:v61+s8+$0x0], $0xffff;
	v35 =	vadd.f32 v59, v37  }
0x11b: {  	v60 =	vld.idx.msk [tilespmem:v63+s8+$0x0], $0xffff;
	v63 =	vadd.s32 v7, v51;
	v36 =	vadd.f32 v36, v54;
	v32 =	vadd.f32 v33, v57  }
0x11c: {  	v31 =	vadd.f32 v31, v40;
	v33 =	vld.idx.msk [tilespmem:v58+s8+$0x0], $0xffff;
	v57 =	vmul.f32 v35, v48;
	v58 =	vadd.s32 v7, v47  }
0x11d: {  	v46 =	vld.idx.msk [tilespmem:v46+s8+$0x0], $0xffff;
	v61 =	vadd.s32 v6, v47;
	v59 =	vadd.s32 v5, v49;
	v32 =	vmul.f32 v32, v43  }
0x11e: {  	v36 =	vmul.f32 v36, v45;
	v30 =	vadd.f32 v31, v30;
	v34 =	vadd.f32 v57, v62;
	v62 =	vld.idx.msk [tilespmem:v55+s8+$0x0], $0xffff  }
0x11f: {  	v43 =	vperm.xlane v26, v0;
	v31 =	vadd.f32 v32, v56;
	v32 =	vld.idx.msk [tilespmem:v39+s8+$0x0], $0xffff;
	v39 =	vperm.xlane v25, v12  }
0x120: {  	v24 =	vmul.f32 v29, v24;
	v41 =	vld.idx.msk [tilespmem:v63+s8+$0x0], $0xffff;
	v57 =	vadd.f32 v36, v60;
	v60 =	vadd.s32 v2, v49  }
0x121: {  	v28 =	vperm.xlane v25, v14;
	v55 =	vadd.s32 v7, v43;
	v35 =	vld.idx.msk [tilespmem:v58+s8+$0x0], $0xffff;
	v44 =	vmul.f32 v44, v39  }
0x122: {  	v50 =	vperm.xlane v26, v15;
	v24 =	vadd.f32 v24, v46;
	v53 =	vld.idx.msk [tilespmem:v59+s8+$0x0], $0xffff;
	v56 =	vadd.s32 v5, v47  }
0x123: {  	v49 =	vperm.xlane v25, v13;
	v59 =	vadd.s32 v6, v43;
	v58 =	vld.idx.msk [tilespmem:v61+s8+$0x0], $0xffff;
	v37 =	vadd.f32 v44, v62  }
0x124: {  	v63 =	vld.idx.msk [tilespmem:v52+s8+$0x0], $0xffff;
	v34 =	vmul.f32 v34, v48;
	v44 =	vperm.xlane v25, v1;
	v62 =	vadd.s32 v5, v51  }
0x125: {  	v47 =	vadd.s32 v2, v47;
	v61 =	vmul.f32 v57, v45;
	v57 =	vld.idx.msk [tilespmem:v60+s8+$0x0], $0xffff;
	v37 =	vmul.f32 v37, v39  }
0x126: {  	v30 =	vadd.f32 v31, v30;
	v33 =	vadd.f32 v34, v33;
	v48 =	vld.idx.msk [tilespmem:v55+s8+$0x0], $0xffff;
	v35 =	vmul.f32 v35, v44  }
0x127: {  	v41 =	vmul.f32 v41, v49;
	v54 =	vld.idx.msk [tilespmem:v56+s8+$0x0], $0xffff;
	v55 =	vadd.s32 v5, v43;
	v31 =	vadd.f32 v37, v53  }
0x128: {  	v56 =	vld.idx.msk [tilespmem:v59+s8+$0x0], $0xffff;
	v35 =	vadd.f32 v35, v58;
	v37 =	vperm.xlane v26, v14;
	v58 =	vadd.s32 v2, v51  }
0x129: {  	v30 =	vadd.f32 v33, v30;
	v43 =	vadd.s32 v2, v43;
	v51 =	vperm.xlane v25, v0;
	v34 =	vld.idx.msk [tilespmem:v62+s8+$0x0], $0xffff  }
0x12a: {  	v41 =	vadd.f32 v41, v63;
	v35 =	vmul.f32 v35, v44;
	v59 =	vadd.s32 v7, v37  }
0x12b: {  	v32 =	vadd.f32 v61, v32;
	v47 =	vld.idx.msk [tilespmem:v47+s8+$0x0], $0xffff;
	v60 =	vmul.f32 v48, v51;
	v62 =	vadd.s32 v6, v37  }
0x12c: {  	v63 =	vmul.f32 v41, v49;
	v31 =	vmul.f32 v31, v39;
	v61 =	vld.idx.msk [tilespmem:v55+s8+$0x0], $0xffff;
	v33 =	vadd.f32 v35, v54  }
0x12d: {  	v52 =	vadd.s32 v7, v50;
	v30 =	vadd.f32 v32, v30;
	v36 =	vadd.f32 v60, v56;
	v45 =	vld.idx.msk [tilespmem:v58+s8+$0x0], $0xffff  }
0x12e: {  	v31 =	vadd.f32 v31, v57;
	v56 =	vld.idx.msk [tilespmem:v43+s8+$0x0], $0xffff;
	v33 =	vmul.f32 v33, v44;
	v32 =	vadd.f32 v63, v34  }
0x12f: {  	v57 =	vadd.s32 v5, v37;
	v53 =	vmul.f32 v36, v51;
	v54 =	vld.idx.msk [tilespmem:v59+s8+$0x0], $0xffff;
	v59 =	vadd.s32 v6, v50  }
0x130: {  	v30 =	vadd.f32 v31, v30;
	v58 =	vld.idx.msk [tilespmem:v62+s8+$0x0], $0xffff;
	v55 =	vadd.f32 v33, v47;
	v32 =	vmul.f32 v32, v49  }
0x131: {  	v24 =	vadd.f32 v24, v27;
	v44 =	vadd.s32 v2, v37;
	v34 =	vadd.f32 v53, v61;
	v47 =	vld [tilespmem:s14+$0x0]  }
0x132: {  	v63 =	vld.idx.msk [tilespmem:v52+s8+$0x0], $0xffff;
	v60 =	vadd.f32 v55, v30;
	v61 =	vadd.f32 v32, v45;
	v45 =	vperm.xlane v26, v16  }
0x133: {  	v49 =	vadd.s32 v5, v50;
	v62 =	vmul.f32 v34, v51;
	v55 =	vperm.xlane v26, v17  }
0x134: {  	v36 =	vmul.f32 v54, v28;
	v29 =	vadd.f32 v61, v60;
	v52 =	vld.idx.msk [tilespmem:v59+s8+$0x0], $0xffff;
	v53 =	vadd.s32 v7, v45  }
0x135: {  	v48 =	vld.idx.msk [tilespmem:v57+s8+$0x0], $0xffff;
	v31 =	vadd.f32 v62, v56;
	v54 =	vperm.xlane v25, v15;
	v57 =	vadd.s32 v6, v45  }
0x136: {  	v59 =	vadd.s32 v2, v50;
	v40 =	vmax.f32 v47, $-1.000000000e+00;
	v51 =	vadd.f32 v36, v58  }
0x137: {  	v34 =	vld.idx.msk [tilespmem:v44+s8+$0x0], $0xffff;
	v50 =	vadd.s32 v6, v42;
	v32 =	vmul.f32 v63, v54;
	v40 =	vmin.f32 v40, $1.000000000e+00  }
0x138: {  	v38 =	vld.idx.msk [tilespmem:v49+s8+$0x0], $0xffff;
	v58 =	vadd.s32 v7, v55;
	v40 =	vadd.f32 $1.000000000e+00, v40;
	v56 =	vmul.f32 v51, v28  }
0x139: {  	v61 =	vadd.s32 v6, v55;
	v63 =	vadd.s32 v7, v42;
	v32 =	vadd.f32 v32, v52;
	v60 =	vld.idx.msk [tilespmem:v53+s8+$0x0], $0xffff  }
0x13a: {  	v62 =	vadd.s32 v5, v45;
	v33 =	vld.idx.msk [tilespmem:v57+s8+$0x0], $0xffff;
	v40 =	vmul.f32 $4.500000000e+00, v40;
	v30 =	vadd.f32 v56, v48  }
0x13b: {  	v37 =	vadd.s32 v2, v45;
	v29 =	vadd.f32 v31, v29;
	v31 =	vld.idx.msk [tilespmem:v59+s8+$0x0], $0xffff;
	v32 =	vmul.f32 v32, v54  }
0x13c: {  	v53 =	vadd.s32 v2, v55;
	v59 =	vld.idx.msk [tilespmem:v50+s8+$0x0], $0xffff;
	v49 =	vtrunc.f32 v40;
	v28 =	vmul.f32 v30, v28  }
0x13d: {  	v57 =	vadd.s32 v5, v42;
	v41 =	vld.idx.msk [tilespmem:v58+s8+$0x0], $0xffff;
	v44 =	vcvt.f32.s32 v49;
	v32 =	vadd.f32 v32, v38  }
0x13e: {  	v50 =	vadd.s32 v2, v42;
	v48 =	vadd.s32 v5, v55;
	v55 =	vld.idx.msk [tilespmem:v63+s8+$0x0], $0xffff;
	v28 =	vadd.f32 v28, v34  }
0x13f: {  	v34 =	vperm.xlane v25, v16;
	vm12 =	vlt.s32 v44, $0x8;
	v51 =	vmul.f32 v32, v54  }
0x140: {  	v36 =	vld.idx.msk [tilespmem:v61+s8+$0x0], $0xffff;
	v32 =	vperm.xlane v25, v17;
	v43 =	vnsel vm12, $0x8, v44;
	v44 =	vperm.xlane v25, v18  }
0x141: {  	v35 =	vmul.f32 v60, v34;
	v28 =	vadd.f32 v28, v29;
	v58 =	vshll.u32 v43, $0x6  }
0x142: {  	v54 =	vmul.f32 v41, v32;
	v41 =	vperm.xlane v26, v19;
	v27 =	vadd.s32 v3, v58  }
0x143: {  	v29 =	vadd.f32 v51, v31;
	v63 =	vmul.f32 v55, v44;
	v51 =	vld.idx.msk [tilespmem:v57+s8+$0x0], $0xffff;
	v57 =	vcvt.s32.f32 v43  }
0x144: {  	v30 =	vld.idx.msk [tilespmem:v62+s8+$0x0], $0xffff;
	v52 =	vadd.f32 v35, v33;
	v47 =	vperm.xlane v27, v4;
	v45 =	vperm.xlane v27, v8  }
0x145: {  	v35 =	vadd.f32 v54, v36;
	v60 =	vadd.s32 v7, v41;
	v62 =	vadd.s32 v6, v41  }
0x146: {  	v38 =	vld.idx.msk [tilespmem:v48+s8+$0x0], $0xffff;
	v29 =	vadd.f32 v29, v28;
	v54 =	vadd.s32 v5, v41;
	v28 =	vperm.xlane v26, v20  }
0x147: {  	v31 =	vld.idx.msk [tilespmem:v50+s8+$0x0], $0xffff;
	v26 =	vsub.f32 v40, v57;
	v41 =	vadd.s32 v2, v41;
	v56 =	vmul.f32 v52, v34  }
0x148: {  	v33 =	vld.idx.msk [tilespmem:v53+s8+$0x0], $0xffff;
	v48 =	vadd.s32 v7, v47;
	v53 =	vadd.s32 v6, v47;
	v50 =	vadd.s32 v6, v45  }
0x149: {  	v37 =	vld.idx.msk [tilespmem:v37+s8+$0x0], $0xffff;
	v57 =	vadd.s32 v5, v45;
	v61 =	vmul.f32 v35, v32;
	v30 =	vadd.f32 v56, v30  }
0x14a: {  	v35 =	vperm.xlane v25, v19;
	v58 =	vadd.s32 v6, v28;
	v46 =	vperm.xlane v26, v4;
	v52 =	vld.idx.msk [tilespmem:v60+s8+$0x0], $0xffff  }
0x14b: {  	v30 =	vmul.f32 v30, v34;
	v34 =	vadd.f32 v63, v59;
	v56 =	vld.idx.msk [tilespmem:v62+s8+$0x0], $0xffff;
	v59 =	vadd.s32 v5, v47  }
0x14c: {  	v25 =	vperm.xlane v25, v20;
	v49 =	vadd.f32 v61, v38;
	v60 =	vadd.s32 v7, v45;
	v61 =	vld.idx.msk [tilespmem:v54+s8+$0x0], $0xffff  }
0x14d: {  	v62 =	vadd.s32 v7, v28;
	v63 =	vperm.xlane v27, v9;
	v45 =	vadd.s32 v2, v45;
	v39 =	vld.idx.msk [tilespmem:v48+s8+$0x0], $0xffff  }
0x14e: {  	v32 =	vmul.f32 v49, v32;
	v40 =	vld.idx.msk [tilespmem:v57+s8+$0x0], $0xffff;
	v57 =	vadd.s32 v5, v28;
	v28 =	vadd.s32 v2, v28  }
0x14f: {  	v30 =	vadd.f32 v30, v37;
	v55 =	vmul.f32 v34, v44;
	v37 =	vld.idx.msk [tilespmem:v53+s8+$0x0], $0xffff;
	v53 =	vadd.s32 v2, v47  }
0x150: {  	v54 =	vadd.s32 v6, v63;
	v48 =	vadd.s32 v2, v63;
	v32 =	vadd.f32 v32, v33;
	v33 =	vld.idx.msk [tilespmem:v59+s8+$0x0], $0xffff  }
0x151: {  	v29 =	vadd.f32 v30, v29;
	v30 =	vadd.f32 v55, v51;
	v51 =	vadd.s32 v7, v63;
	v38 =	vld.idx.msk [tilespmem:v60+s8+$0x0], $0xffff  }
0x152: {  	v36 =	vmul.f32 v52, v35;
	v59 =	vperm.xlane v26, v8;
	v60 =	vadd.s32 v5, v63;
	v45 =	vld.idx.msk [tilespmem:v45+s8+$0x0], $0xffff  }
0x153: {  	v30 =	vmul.f32 v30, v44;
	v29 =	vadd.f32 v32, v29;
	v32 =	vld.idx.msk [tilespmem:v58+s8+$0x0], $0xffff;
	v39 =	vmul.f32 v39, v46  }
0x154: {  	v44 =	vperm.xlane v27, v10;
	v34 =	vadd.f32 v36, v56;
	v56 =	vld.idx.msk [tilespmem:v62+s8+$0x0], $0xffff;
	v62 =	vperm.xlane v27, v11  }
0x155: {  	v36 =	vld.idx.msk [tilespmem:v50+s8+$0x0], $0xffff;
	v50 =	vperm.xlane v26, v9;
	v30 =	vadd.f32 v30, v31;
	v37 =	vadd.f32 v39, v37  }
0x156: {  	v58 =	vadd.s32 v7, v44;
	v52 =	vmul.f32 v34, v35;
	v43 =	vld.idx.msk [tilespmem:v51+s8+$0x0], $0xffff;
	v51 =	vadd.s32 v7, v62  }
0x157: {  	v34 =	vld.idx.msk [tilespmem:v53+s8+$0x0], $0xffff;
	v53 =	vadd.s32 v5, v44;
	v29 =	vadd.f32 v30, v29;
	v37 =	vmul.f32 v37, v46  }
0x158: {  	v39 =	vld.idx.msk [tilespmem:v54+s8+$0x0], $0xffff;
	v38 =	vmul.f32 v38, v59;
	v55 =	vadd.f32 v52, v61;
	v61 =	vadd.s32 v6, v44  }
0x159: {  	v52 =	vld.idx.msk [tilespmem:v60+s8+$0x0], $0xffff;
	v44 =	vadd.s32 v2, v44;
	v60 =	vadd.s32 v5, v62;
	v33 =	vadd.f32 v37, v33  }
0x15a: {  	v47 =	vld.idx.msk [tilespmem:v57+s8+$0x0], $0xffff;
	v31 =	vmul.f32 v56, v25;
	v36 =	vadd.f32 v38, v36;
	v56 =	vadd.s32 v6, v62  }
0x15b: {  	v62 =	vadd.s32 v2, v62;
	v30 =	vmul.f32 v55, v35;
	v63 =	vld.idx.msk [tilespmem:v58+s8+$0x0], $0xffff;
	v43 =	vmul.f32 v43, v50  }
0x15c: {  	v58 =	vld.idx.msk [tilespmem:v48+s8+$0x0], $0xffff;
	v48 =	vperm.xlane v27, v0;
	v33 =	vmul.f32 v33, v46;
	v31 =	vadd.f32 v31, v32  }
0x15d: {  	v54 =	vmul.f32 v36, v59;
	v42 =	vld.idx.msk [tilespmem:v51+s8+$0x0], $0xffff;
	v51 =	vperm.xlane v27, v1;
	v39 =	vadd.f32 v43, v39  }
0x15e: {  	v46 =	vperm.xlane v27, v13;
	v33 =	vadd.f32 v33, v34;
	v55 =	vld.idx.msk [tilespmem:v61+s8+$0x0], $0xffff;
	v43 =	vperm.xlane v26, v10  }
0x15f: {  	v31 =	vmul.f32 v31, v25;
	v34 =	vadd.f32 v54, v40;
	v37 =	vld.idx.msk [tilespmem:v56+s8+$0x0], $0xffff;
	v39 =	vmul.f32 v39, v50  }
0x160: {  	v61 =	vperm.xlane v27, v12;
	v54 =	vadd.s32 v7, v51;
	v56 =	vld.idx.msk [tilespmem:v60+s8+$0x0], $0xffff;
	v60 =	vadd.s32 v2, v51  }
0x161: {  	v38 =	vmul.f32 v63, v43;
	v32 =	vadd.f32 v39, v52;
	v39 =	vld.idx.msk [tilespmem:v41+s8+$0x0], $0xffff;
	v41 =	vperm.xlane v26, v11  }
0x162: {  	v33 =	vadd.f32 $0.0e+00, v33;
	v34 =	vmul.f32 v34, v59;
	v59 =	vld.idx.msk [tilespmem:v53+s8+$0x0], $0xffff;
	v53 =	vadd.s32 v7, v61  }
0x163: {  	v28 =	vld.idx.msk [tilespmem:v28+s8+$0x0], $0xffff;
	v63 =	vadd.s32 v2, v61;
	v36 =	vadd.f32 v38, v55;
	v42 =	vmul.f32 v42, v41  }
0x164: {  	v44 =	vld.idx.msk [tilespmem:v44+s8+$0x0], $0xffff;
	v57 =	vadd.s32 v6, v61;
	v31 =	vadd.f32 v31, v47;
	v32 =	vmul.f32 v32, v50  }
0x165: {  	v34 =	vadd.f32 v34, v45;
	v38 =	vld.idx.msk [tilespmem:v62+s8+$0x0], $0xffff;
	v36 =	vmul.f32 v36, v43;
	v37 =	vadd.f32 v42, v37  }
0x166: {  	v52 =	vperm.xlane v27, v14;
	v62 =	vld.idx.msk [tilespmem:v54+s8+$0x0], $0xffff;
	v32 =	vadd.f32 v32, v58;
	v58 =	vadd.s32 v6, v51  }
0x167: {  	v45 =	vld.idx.msk [tilespmem:v53+s8+$0x0], $0xffff;
	v55 =	vadd.f32 v36, v59;
	v59 =	vadd.s32 v5, v61;
	v37 =	vmul.f32 v37, v41  }
0x168: {  	v25 =	vmul.f32 v31, v25;
	v33 =	vadd.f32 v34, v33;
	v42 =	vld.idx.msk [tilespmem:v63+s8+$0x0], $0xffff;
	v63 =	vadd.s32 v7, v46  }
0x169: {  	v36 =	vld.idx.msk [tilespmem:v57+s8+$0x0], $0xffff;
	v57 =	vadd.s32 v6, v46;
	v35 =	vadd.f32 v37, v56;
	v56 =	vadd.s32 v5, v51  }
0x16a: {  	v47 =	vld.idx.msk [tilespmem:v60+s8+$0x0], $0xffff;
	v32 =	vadd.f32 v32, v33;
	v33 =	vperm.xlane v26, v12;
	v34 =	vmul.f32 v55, v43  }
0x16b: {  	v43 =	vperm.xlane v26, v1;
	v40 =	vld.idx.msk [tilespmem:v58+s8+$0x0], $0xffff;
	v58 =	vadd.s32 v7, v48;
	v35 =	vmul.f32 v35, v41  }
0x16c: {  	v45 =	vmul.f32 v45, v33;
	v61 =	vadd.f32 v34, v44;
	v44 =	vadd.s32 v6, v48;
	v41 =	vld.idx.msk [tilespmem:v59+s8+$0x0], $0xffff  }
0x16d: {  	v34 =	vmul.f32 v62, v43;
	v59 =	vadd.s32 v5, v46;
	v35 =	vadd.f32 v35, v38;
	v38 =	vld.idx.msk [tilespmem:v63+s8+$0x0], $0xffff  }
0x16e: {  	v62 =	vadd.s32 v7, v52;
	v60 =	vadd.f32 v45, v36;
	v32 =	vadd.f32 v61, v32;
	v61 =	vld.idx.msk [tilespmem:v56+s8+$0x0], $0xffff  }
0x16f: {  	v49 =	vperm.xlane v26, v14;
	v25 =	vadd.f32 v25, v28;
	v63 =	vadd.s32 v2, v46;
	v56 =	vld.idx.msk [tilespmem:v57+s8+$0x0], $0xffff  }
0x170: {  	v53 =	vperm.xlane v27, v15;
	v30 =	vadd.f32 v30, v39;
	v31 =	vmul.f32 v60, v33;
	v57 =	vld.idx.msk [tilespmem:v58+s8+$0x0], $0xffff  }
0x171: {  	v51 =	vperm.xlane v27, v16;
	v34 =	vadd.f32 v34, v40;
	v58 =	vadd.s32 v6, v52;
	v44 =	vld.idx.msk [tilespmem:v44+s8+$0x0], $0xffff  }
0x172: {  	v45 =	vperm.xlane v26, v13;
	v50 =	vld.idx.msk [tilespmem:v59+s8+$0x0], $0xffff;
	v59 =	vadd.s32 v5, v48;
	v31 =	vadd.f32 v31, v41  }
0x173: {  	v36 =	vperm.xlane v26, v0;
	v60 =	vadd.s32 v2, v48;
	v37 =	vld.idx.msk [tilespmem:v62+s8+$0x0], $0xffff;
	v34 =	vmul.f32 v34, v43  }
0x174: {  	v38 =	vmul.f32 v38, v45;
	v31 =	vmul.f32 v31, v33;
	v33 =	vld.idx.msk [tilespmem:v63+s8+$0x0], $0xffff;
	v63 =	vadd.s32 v5, v52  }
0x175: {  	v46 =	vperm.xlane v26, v19;
	v34 =	vadd.f32 v34, v61;
	v61 =	vadd.s32 v7, v53  }
0x176: {  	v62 =	vadd.f32 v38, v56;
	v54 =	vmul.f32 v57, v36;
	v55 =	vld.idx.msk [tilespmem:v58+s8+$0x0], $0xffff;
	v56 =	vadd.s32 v6, v53  }
0x177: {  	v32 =	vadd.f32 v35, v32;
	v31 =	vadd.f32 v31, v42;
	v58 =	vadd.s32 v2, v52;
	v57 =	vld.idx.msk [tilespmem:v59+s8+$0x0], $0xffff  }
0x178: {  	v41 =	vld.idx.msk [tilespmem:v60+s8+$0x0], $0xffff;
	v35 =	vmul.f32 v62, v45;
	v40 =	vadd.f32 v54, v44;
	v62 =	vadd.s32 v7, v51  }
0x179: {  	v60 =	vmul.f32 v37, v49;
	v34 =	vmul.f32 v34, v43;
	v31 =	vadd.f32 v31, v32;
	v38 =	vld.idx.msk [tilespmem:v63+s8+$0x0], $0xffff  }
0x17a: {  	v63 =	vadd.s32 v5, v53;
	v59 =	vadd.f32 v35, v50;
	v61 =	vld.idx.msk [tilespmem:v61+s8+$0x0], $0xffff;
	v40 =	vmul.f32 v40, v36  }
0x17b: {  	v34 =	vadd.f32 v34, v47;
	v50 =	vadd.s32 v6, v51;
	v35 =	vadd.f32 v60, v55;
	v48 =	vld.idx.msk [tilespmem:v56+s8+$0x0], $0xffff  }
0x17c: {  	v42 =	vperm.xlane v26, v15;
	v56 =	vld [tilespmem:s14+$0x80];
	v32 =	vmul.f32 v59, v45;
	v40 =	vadd.f32 v40, v57  }
0x17d: {  	v47 =	vperm.xlane v26, v18;
	v31 =	vadd.f32 v34, v31;
	v52 =	vmul.f32 v35, v49;
	v59 =	vld.idx.msk [tilespmem:v62+s8+$0x0], $0xffff  }
0x17e: {  	v45 =	vperm.xlane v27, v18;
	v32 =	vadd.f32 v32, v33;
	v33 =	vld.idx.msk [tilespmem:v58+s8+$0x0], $0xffff;
	v54 =	vmul.f32 v40, v36  }
0x17f: {  	v58 =	vadd.s32 v2, v53;
	v60 =	vld.idx.msk [tilespmem:v63+s8+$0x0], $0xffff;
	v55 =	vmul.f32 v61, v42;
	v57 =	vadd.f32 v52, v38  }
0x180: {  	v61 =	vadd.s32 v5, v51;
	v63 =	vld.idx.msk [tilespmem:v50+s8+$0x0], $0xffff;
	v50 =	vperm.xlane v26, v16;
	v31 =	vadd.f32 v32, v31  }
0x181: {  	v52 =	vadd.s32 v2, v51;
	v35 =	vadd.f32 v54, v41;
	v41 =	vadd.f32 v30, v29  }
0x182: {  	v37 =	vmax.f32 v56, $-1.000000000e+00;
	v56 =	vadd.s32 v7, v45;
	v36 =	vadd.f32 v55, v48  }
0x183: {  	v62 =	vmul.f32 v57, v49;
	v48 =	vperm.xlane v27, v17;
	v37 =	vmin.f32 v37, $1.000000000e+00  }
0x184: {  	v31 =	vadd.f32 v35, v31;
	v38 =	vmul.f32 v59, v50;
	v37 =	vadd.f32 $1.000000000e+00, v37  }
0x185: {  	v25 =	vadd.f32 v25, v41;
	v49 =	vmul.f32 v36, v42;
	v53 =	vadd.s32 v7, v48  }
0x186: {  	v34 =	vld.idx.msk [tilespmem:v58+s8+$0x0], $0xffff;
	v55 =	vadd.s32 v6, v48;
	v29 =	vadd.f32 v62, v33;
	v58 =	vadd.s32 v6, v45  }
0x187: {  	v62 =	vadd.s32 v5, v48;
	v32 =	vadd.s32 v2, v48;
	v54 =	vld.idx.msk [tilespmem:v61+s8+$0x0], $0xffff;
	v35 =	vadd.f32 v49, v60  }
0x188: {  	v48 =	vperm.xlane v27, v20;
	v30 =	vadd.f32 v38, v63;
	v37 =	vmul.f32 $4.500000000e+00, v37;
	v59 =	vld.idx.msk [tilespmem:v52+s8+$0x0], $0xffff  }
0x189: {  	v52 =	vadd.s32 v5, v45;
	v60 =	vperm.xlane v27, v19;
	v33 =	vld.idx.msk [tilespmem:v56+s8+$0x0], $0xffff;
	v35 =	vmul.f32 v35, v42  }
0x18a: {  	v29 =	vadd.f32 v29, v31;
	v30 =	vmul.f32 v30, v50;
	v61 =	vtrunc.f32 v37;
	v57 =	vld.idx.msk [tilespmem:v53+s8+$0x0], $0xffff  }
0x18b: {  	v43 =	vcvt.f32.s32 v61;
	v63 =	vadd.s32 v7, v60;
	v40 =	vld.idx.msk [tilespmem:v55+s8+$0x0], $0xffff;
	v34 =	vadd.f32 v35, v34  }
0x18c: {  	v38 =	vld.idx.msk [tilespmem:v58+s8+$0x0], $0xffff;
	v53 =	vadd.s32 v6, v60;
	v55 =	vadd.s32 v2, v45;
	v30 =	vadd.f32 v30, v54  }
0x18d: {  	vm13 =	vlt.s32 v43, $0x8;
	v29 =	vadd.f32 v34, v29;
	v34 =	vperm.xlane v26, v17  }
0x18e: {  	v42 =	vadd.s32 v2, v60;
	v39 =	vld.idx.msk [tilespmem:v62+s8+$0x0], $0xffff;
	v43 =	vnsel vm13, $0x8, v43;
	v30 =	vmul.f32 v30, v50  }
0x18f: {  	v56 =	vld.idx.msk [tilespmem:v52+s8+$0x0], $0xffff;
	v33 =	vmul.f32 v33, v47;
	v54 =	vshll.u32 v43, $0x6;
	v31 =	vmul.f32 v57, v34  }
0x190: {  	v44 =	vld.idx.msk [tilespmem:v63+s8+$0x0], $0xffff;
	v35 =	vadd.f32 v30, v59;
	v30 =	vadd.s32 v3, v54;
	v57 =	vadd.s32 v5, v60  }
0x191: {  	v43 =	vcvt.s32.f32 v43;
	v33 =	vadd.f32 v33, v38;
	v58 =	vld.idx.msk [tilespmem:v53+s8+$0x0], $0xffff;
	v45 =	vperm.xlane v30, v4  }
0x192: {  	v63 =	vld.idx.msk [tilespmem:v55+s8+$0x0], $0xffff;
	v53 =	vadd.s32 v6, v48;
	v55 =	vadd.s32 v7, v48;
	v31 =	vadd.f32 v31, v40  }
0x193: {  	v49 =	vperm.xlane v30, v8;
	v50 =	vperm.xlane v30, v11;
	v59 =	vadd.s32 v7, v45  }
0x194: {  	v32 =	vld.idx.msk [tilespmem:v32+s8+$0x0], $0xffff;
	v61 =	vmul.f32 v33, v47;
	v62 =	vadd.s32 v6, v45;
	v31 =	vmul.f32 v31, v34  }
0x195: {  	v28 =	vadd.f32 v35, v29;
	v29 =	vsub.f32 v37, v43;
	v52 =	vmul.f32 v44, v46;
	v54 =	vld.idx.msk [tilespmem:v57+s8+$0x0], $0xffff  }
0x196: {  	v57 =	vld.idx.msk [tilespmem:v42+s8+$0x0], $0xffff;
	v60 =	vadd.f32 v31, v39;
	v31 =	vadd.f32 v61, v56;
	v56 =	vadd.s32 v7, v49  }
0x197: {  	v43 =	vperm.xlane v30, v9;
	v35 =	vld.idx.msk [tilespmem:v55+s8+$0x0], $0xffff;
	v36 =	vadd.f32 v52, v58;
	v58 =	vadd.s32 v5, v45  }
0x198: {  	v41 =	vperm.xlane v29, v4;
	v61 =	vadd.s32 v5, v48;
	v27 =	vmul.f32 v60, v34;
	v38 =	vld.idx.msk [tilespmem:v59+s8+$0x0], $0xffff  }
0x199: {  	v31 =	vmul.f32 v31, v47;
	v36 =	vmul.f32 v36, v46;
	v33 =	vld.idx.msk [tilespmem:v62+s8+$0x0], $0xffff;
	v59 =	vadd.s32 v6, v49  }
0x19a: {  	v42 =	vperm.xlane v29, v8;
	v60 =	vld.idx.msk [tilespmem:v53+s8+$0x0], $0xffff;
	v62 =	vadd.s32 v2, v45;
	v27 =	vadd.f32 v27, v32  }
0x19b: {  	v31 =	vadd.f32 v31, v63;
	v34 =	vadd.f32 v36, v54;
	v63 =	vadd.s32 v5, v49;
	v40 =	vld.idx.msk [tilespmem:v56+s8+$0x0], $0xffff  }
0x19c: {  	v55 =	vadd.s32 v6, v43;
	v53 =	vadd.s32 v7, v43;
	v54 =	vadd.s32 v2, v49;
	v37 =	vld.idx.msk [tilespmem:v58+s8+$0x0], $0xffff  }
0x19d: {  	v36 =	vld.idx.msk [tilespmem:v61+s8+$0x0], $0xffff;
	v61 =	vadd.s32 v7, v50;
	v27 =	vadd.f32 v27, v28;
	v34 =	vmul.f32 v34, v46  }
0x19e: {  	v45 =	vadd.s32 v2, v48;
	v46 =	vperm.xlane v30, v10;
	v38 =	vmul.f32 v38, v41;
	v52 =	vld.idx.msk [tilespmem:v59+s8+$0x0], $0xffff  }
0x19f: {  	v48 =	vperm.xlane v29, v11;
	v39 =	vld.idx.msk [tilespmem:v62+s8+$0x0], $0xffff;
	v31 =	vadd.f32 v31, v27;
	v27 =	vperm.xlane v26, v20  }
0x1a0: {  	v49 =	vperm.xlane v30, v0;
	v56 =	vadd.s32 v7, v46;
	v51 =	vadd.f32 v38, v33;
	v58 =	vld.idx.msk [tilespmem:v63+s8+$0x0], $0xffff  }
0x1a1: {  	v59 =	vadd.s32 v6, v46;
	v63 =	vld.idx.msk [tilespmem:v54+s8+$0x0], $0xffff;
	v54 =	vperm.xlane v29, v9;
	v35 =	vmul.f32 v35, v27  }
0x1a2: {  	v32 =	vadd.f32 v34, v57;
	v40 =	vmul.f32 v40, v42;
	v38 =	vld.idx.msk [tilespmem:v61+s8+$0x0], $0xffff;
	v26 =	vmul.f32 v51, v41  }
0x1a3: {  	v51 =	vadd.s32 v5, v43;
	v43 =	vadd.s32 v2, v43;
	v28 =	vadd.f32 v35, v60;
	v60 =	vld.idx.msk [tilespmem:v53+s8+$0x0], $0xffff  }
0x1a4: {  	v33 =	vadd.f32 v40, v52;
	v52 =	vld.idx.msk [tilespmem:v55+s8+$0x0], $0xffff;
	v53 =	vadd.s32 v6, v50;
	v57 =	vadd.f32 v26, v37  }
0x1a5: {  	v26 =	vadd.f32 v32, v31;
	v55 =	vld.idx.msk [tilespmem:v56+s8+$0x0], $0xffff;
	v56 =	vadd.s32 v5, v46;
	v28 =	vmul.f32 v28, v27  }
0x1a6: {  	v33 =	vmul.f32 v33, v42;
	v62 =	vmul.f32 v57, v41;
	v57 =	vld.idx.msk [tilespmem:v59+s8+$0x0], $0xffff;
	v59 =	vadd.s32 v2, v46  }
0x1a7: {  	v46 =	vperm.xlane v30, v12;
	v38 =	vmul.f32 v38, v48;
	v28 =	vadd.f32 v28, v36  }
0x1a8: {  	v33 =	vadd.f32 v33, v58;
	v34 =	vld.idx.msk [tilespmem:v51+s8+$0x0], $0xffff;
	v58 =	vadd.s32 v5, v50;
	v51 =	vperm.xlane v30, v1  }
0x1a9: {  	v31 =	vadd.f32 v62, v39;
	v35 =	vmul.f32 v60, v54;
	v41 =	vld.idx.msk [tilespmem:v53+s8+$0x0], $0xffff;
	v60 =	vadd.s32 v2, v50  }
0x1aa: {  	v43 =	vld.idx.msk [tilespmem:v43+s8+$0x0], $0xffff;
	v62 =	vadd.s32 v6, v46;
	v33 =	vmul.f32 v33, v42;
	v42 =	vperm.xlane v29, v10  }
0x1ab: {  	v61 =	vadd.s32 v7, v46;
	v36 =	vld.idx.msk [tilespmem:v56+s8+$0x0], $0xffff;
	v53 =	vadd.s32 v7, v51;
	v35 =	vadd.f32 v35, v52  }
0x1ac: {  	v56 =	vadd.s32 v6, v51;
	v27 =	vmul.f32 v28, v27;
	v47 =	vmul.f32 v55, v42;
	v40 =	vld.idx.msk [tilespmem:v59+s8+$0x0], $0xffff  }
0x1ad: {  	v31 =	vadd.f32 $0.0e+00, v31;
	v32 =	vadd.f32 v33, v63;
	v35 =	vmul.f32 v35, v54;
	v52 =	vld.idx.msk [tilespmem:v58+s8+$0x0], $0xffff  }
0x1ae: {  	v37 =	vadd.f32 v47, v57;
	v38 =	vadd.f32 v38, v41;
	v41 =	vperm.xlane v30, v13;
	v55 =	vld.idx.msk [tilespmem:v60+s8+$0x0], $0xffff  }
0x1af: {  	v31 =	vadd.f32 v32, v31;
	v60 =	vadd.s32 v5, v46;
	v47 =	vld.idx.msk [tilespmem:v62+s8+$0x0], $0xffff;
	v62 =	vadd.s32 v7, v49  }
0x1b0: {  	v63 =	vadd.f32 v35, v34;
	v35 =	vld.idx.msk [tilespmem:v53+s8+$0x0], $0xffff;
	v53 =	vperm.xlane v30, v15;
	v37 =	vmul.f32 v37, v42  }
0x1b1: {  	v58 =	vld.idx.msk [tilespmem:v61+s8+$0x0], $0xffff;
	v57 =	vmul.f32 v38, v48;
	v59 =	vadd.s32 v7, v41;
	v61 =	vadd.s32 v6, v41  }
0x1b2: {  	v39 =	vld.idx.msk [tilespmem:v56+s8+$0x0], $0xffff;
	v56 =	vadd.s32 v5, v41;
	v54 =	vmul.f32 v63, v54;
	v36 =	vadd.f32 v37, v36  }
0x1b3: {  	v63 =	vadd.s32 v5, v51;
	v34 =	vadd.f32 v57, v52;
	v57 =	vadd.s32 v2, v51  }
0x1b4: {  	v51 =	vperm.xlane v30, v14;
	v32 =	vadd.f32 v54, v43;
	v36 =	vmul.f32 v36, v42  }
0x1b5: {  	v41 =	vadd.s32 v2, v41;
	v42 =	vld.idx.msk [tilespmem:v45+s8+$0x0], $0xffff;
	v34 =	vmul.f32 v34, v48;
	v48 =	vperm.xlane v29, v1  }
0x1b6: {  	v54 =	vadd.s32 v6, v49;
	v45 =	vld.idx.msk [tilespmem:v62+s8+$0x0], $0xffff;
	v31 =	vadd.f32 v32, v31;
	v32 =	vperm.xlane v29, v12  }
0x1b7: {  	v52 =	vperm.xlane v29, v0;
	v44 =	vld.idx.msk [tilespmem:v59+s8+$0x0], $0xffff;
	v36 =	vadd.f32 v36, v40;
	v35 =	vmul.f32 v35, v48  }
0x1b8: {  	v37 =	vld.idx.msk [tilespmem:v61+s8+$0x0], $0xffff;
	v33 =	vadd.f32 v34, v55;
	v55 =	vadd.s32 v2, v46;
	v38 =	vmul.f32 v58, v32  }
0x1b9: {  	v43 =	vperm.xlane v30, v18;
	v31 =	vadd.f32 v36, v31;
	v36 =	vld.idx.msk [tilespmem:v60+s8+$0x0], $0xffff;
	v35 =	vadd.f32 v35, v39  }
0x1ba: {  	v59 =	vld.idx.msk [tilespmem:v63+s8+$0x0], $0xffff;
	v60 =	vadd.s32 v5, v49;
	v38 =	vadd.f32 v38, v47;
	v47 =	vperm.xlane v29, v13  }
0x1bb: {  	v63 =	vadd.s32 v7, v51;
	v62 =	vld.idx.msk [tilespmem:v54+s8+$0x0], $0xffff;
	v54 =	vadd.s32 v6, v51;
	v35 =	vmul.f32 v35, v48  }
0x1bc: {  	v46 =	vld.idx.msk [tilespmem:v57+s8+$0x0], $0xffff;
	v27 =	vadd.f32 v27, v42;
	v58 =	vmul.f32 v38, v32;
	v61 =	vmul.f32 v44, v47  }
0x1bd: {  	v31 =	vadd.f32 v33, v31;
	v34 =	vld.idx.msk [tilespmem:v55+s8+$0x0], $0xffff;
	v55 =	vmul.f32 v45, v52;
	v45 =	vperm.xlane v30, v16  }
0x1be: {  	v26 =	vadd.f32 v27, v26;
	v33 =	vadd.f32 v58, v36;
	v36 =	vld.idx.msk [tilespmem:v56+s8+$0x0], $0xffff;
	v56 =	vadd.s32 v7, v53  }
0x1bf: {  	v57 =	vadd.f32 v35, v59;
	v37 =	vadd.f32 v61, v37;
	v58 =	vadd.s32 v2, v49;
	v59 =	vld.idx.msk [tilespmem:v60+s8+$0x0], $0xffff  }
0x1c0: {  	v39 =	vadd.f32 v55, v62;
	v60 =	vld.idx.msk [tilespmem:v63+s8+$0x0], $0xffff;
	v61 =	vadd.s32 v6, v53;
	v55 =	vperm.xlane v29, v14  }
0x1c1: {  	v62 =	vld.idx.msk [tilespmem:v41+s8+$0x0], $0xffff;
	v63 =	vadd.s32 v5, v51;
	v32 =	vmul.f32 v33, v32;
	v33 =	vmul.f32 v57, v48  }
0x1c2: {  	v50 =	vld.idx.msk [tilespmem:v54+s8+$0x0], $0xffff;
	v37 =	vmul.f32 v37, v47;
	v49 =	vmul.f32 v39, v52;
	v57 =	vadd.s32 v5, v53  }
0x1c3: {  	v39 =	vperm.xlane v30, v17;
	v32 =	vadd.f32 v32, v34;
	v54 =	vadd.f32 v33, v46;
	v56 =	vld.idx.msk [tilespmem:v56+s8+$0x0], $0xffff  }
0x1c4: {  	v48 =	vadd.f32 v37, v36;
	v35 =	vld.idx.msk [tilespmem:v58+s8+$0x0], $0xffff;
	v36 =	vadd.f32 v49, v59;
	v58 =	vadd.s32 v2, v51  }
0x1c5: {  	v40 =	vmul.f32 v60, v55;
	v44 =	vld.idx.msk [tilespmem:v61+s8+$0x0], $0xffff;
	v60 =	vperm.xlane v29, v15;
	v61 =	vadd.s32 v7, v45  }
0x1c6: {  	v59 =	vld.idx.msk [tilespmem:v63+s8+$0x0], $0xffff;
	v51 =	vadd.s32 v2, v53;
	v53 =	vadd.s32 v6, v39;
	v28 =	vmul.f32 v48, v47  }
0x1c7: {  	v31 =	vadd.f32 v32, v31;
	v36 =	vmul.f32 v36, v52;
	v37 =	vadd.f32 v40, v50  }
0x1c8: {  	v48 =	vadd.s32 v6, v45;
	v50 =	vadd.s32 v7, v39;
	v28 =	vadd.f32 v28, v62;
	v62 =	vld [tilespmem:s14+$0x100]  }
0x1c9: {  	v47 =	vld.idx.msk [tilespmem:v57+s8+$0x0], $0xffff;
	v31 =	vadd.f32 v54, v31;
	v54 =	vadd.s32 v5, v45;
	v46 =	vmul.f32 v37, v55  }
0x1ca: {  	v45 =	vadd.s32 v2, v45;
	v63 =	vmul.f32 v56, v60;
	v35 =	vadd.f32 v36, v35;
	v49 =	vld.idx.msk [tilespmem:v58+s8+$0x0], $0xffff  }
0x1cb: {  	v52 =	vld.idx.msk [tilespmem:v61+s8+$0x0], $0xffff;
	v58 =	vadd.s32 v5, v39;
	v61 =	vadd.s32 v6, v43;
	v32 =	vadd.f32 v46, v59  }
0x1cc: {  	v40 =	vld.idx.msk [tilespmem:v53+s8+$0x0], $0xffff;
	v28 =	vadd.f32 v28, v31;
	v59 =	vadd.s32 v7, v43;
	v31 =	vadd.f32 v63, v44  }
0x1cd: {  	v57 =	vld.idx.msk [tilespmem:v50+s8+$0x0], $0xffff;
	v44 =	vperm.xlane v29, v17;
	v32 =	vmul.f32 v32, v55;
	v41 =	vmax.f32 v62, $-1.000000000e+00  }
0x1ce: {  	v28 =	vadd.f32 v35, v28;
	v55 =	vld.idx.msk [tilespmem:v48+s8+$0x0], $0xffff;
	v31 =	vmul.f32 v31, v60;
	v41 =	vmin.f32 v41, $1.000000000e+00  }
0x1cf: {  	v33 =	vld.idx.msk [tilespmem:v54+s8+$0x0], $0xffff;
	v54 =	vadd.s32 v2, v39;
	v32 =	vadd.f32 v32, v49;
	v56 =	vadd.f32 $1.000000000e+00, v41  }
0x1d0: {  	v35 =	vld.idx.msk [tilespmem:v51+s8+$0x0], $0xffff;
	v39 =	vperm.xlane v29, v18;
	v31 =	vadd.f32 v31, v47;
	v41 =	vperm.xlane v29, v16  }
0x1d1: {  	v47 =	vperm.xlane v30, v19;
	v32 =	vadd.f32 v32, v28;
	v38 =	vmul.f32 $4.500000000e+00, v56  }
0x1d2: {  	v62 =	vmul.f32 v57, v44;
	v57 =	vadd.s32 v5, v43;
	v36 =	vmul.f32 v52, v41  }
0x1d3: {  	v34 =	vld.idx.msk [tilespmem:v58+s8+$0x0], $0xffff;
	v31 =	vmul.f32 v31, v60;
	v63 =	vadd.s32 v7, v47;
	v60 =	vtrunc.f32 v38  }
0x1d4: {  	v52 =	vld.idx.msk [tilespmem:v59+s8+$0x0], $0xffff;
	v28 =	vadd.f32 v62, v40;
	v36 =	vadd.f32 v36, v55;
	v48 =	vcvt.f32.s32 v60  }
0x1d5: {  	v43 =	vadd.s32 v2, v43;
	v53 =	vadd.s32 v6, v47;
	v31 =	vadd.f32 v31, v35  }
0x1d6: {  	v37 =	vld.idx.msk [tilespmem:v61+s8+$0x0], $0xffff;
	v56 =	vmul.f32 v28, v44;
	v51 =	vmul.f32 v36, v41;
	vm14 =	vlt.s32 v48, $0x8  }
0x1d7: {  	v45 =	vld.idx.msk [tilespmem:v45+s8+$0x0], $0xffff;
	v60 =	vadd.s32 v5, v47;
	v47 =	vadd.s32 v2, v47;
	v46 =	vnsel vm14, $0x8, v48  }
0x1d8: {  	v35 =	vld.idx.msk [tilespmem:v54+s8+$0x0], $0xffff;
	v34 =	vadd.f32 v56, v34;
	v33 =	vadd.f32 v51, v33;
	v55 =	vshll.u32 v46, $0x6  }
0x1d9: {  	v58 =	vld.idx.msk [tilespmem:v63+s8+$0x0], $0xffff;
	v36 =	vmul.f32 v52, v39;
	v48 =	vperm.xlane v30, v20;
	v28 =	vadd.s32 v3, v55  }
0x1da: {  	v31 =	vadd.f32 v31, v32;
	v62 =	vld.idx.msk [tilespmem:v57+s8+$0x0], $0xffff;
	v59 =	vmul.f32 v33, v41;
	v42 =	vperm.xlane v28, v4  }
0x1db: {  	v40 =	vld.idx.msk [tilespmem:v53+s8+$0x0], $0xffff;
	v34 =	vmul.f32 v34, v44;
	v36 =	vadd.f32 v36, v37;
	v54 =	vcvt.s32.f32 v46  }
0x1dc: {  	v32 =	vadd.f32 v59, v45;
	v45 =	vperm.xlane v29, v19;
	v61 =	vadd.s32 v7, v42  }
0x1dd: {  	v56 =	vadd.s32 v7, v48;
	v46 =	vperm.xlane v28, v8;
	v63 =	vadd.s32 v6, v42  }
0x1de: {  	v57 =	vld.idx.msk [tilespmem:v43+s8+$0x0], $0xffff;
	v52 =	vmul.f32 v36, v39;
	v34 =	vadd.f32 v34, v35;
	v27 =	vmul.f32 v58, v45  }
0x1df: {  	v53 =	vld.idx.msk [tilespmem:v60+s8+$0x0], $0xffff;
	v50 =	vperm.xlane v28, v11;
	v59 =	vadd.s32 v7, v46;
	v51 =	vadd.f32 v32, v31  }
0x1e0: {  	v60 =	vld.idx.msk [tilespmem:v47+s8+$0x0], $0xffff;
	v58 =	vadd.s32 v5, v42;
	v31 =	vadd.f32 v52, v62;
	v55 =	vadd.f32 v27, v40  }
0x1e1: {  	v62 =	vadd.s32 v6, v46;
	v52 =	vadd.s32 v2, v42;
	v27 =	vsub.f32 v38, v54;
	v41 =	vld.idx.msk [tilespmem:v61+s8+$0x0], $0xffff  }
0x1e2: {  	v30 =	vadd.f32 v34, v51;
	v31 =	vmul.f32 v31, v39;
	v36 =	vmul.f32 v55, v45;
	v37 =	vld.idx.msk [tilespmem:v63+s8+$0x0], $0xffff  }
0x1e3: {  	v54 =	vadd.s32 v5, v46;
	v46 =	vadd.s32 v2, v46;
	v61 =	vadd.s32 v6, v48;
	v63 =	vld.idx.msk [tilespmem:v56+s8+$0x0], $0xffff  }
0x1e4: {  	v44 =	vperm.xlane v27, v4;
	v38 =	vld.idx.msk [tilespmem:v59+s8+$0x0], $0xffff;
	v32 =	vadd.f32 v36, v53;
	v53 =	vperm.xlane v28, v9  }
0x1e5: {  	v31 =	vadd.f32 v31, v57;
	v49 =	vperm.xlane v27, v8;
	v51 =	vperm.xlane v27, v10;
	v33 =	vld.idx.msk [tilespmem:v58+s8+$0x0], $0xffff  }
0x1e6: {  	v36 =	vld.idx.msk [tilespmem:v62+s8+$0x0], $0xffff;
	v32 =	vmul.f32 v32, v45;
	v55 =	vadd.s32 v7, v53;
	v45 =	vperm.xlane v28, v10  }
0x1e7: {  	v47 =	vperm.xlane v27, v13;
	v40 =	vld.idx.msk [tilespmem:v52+s8+$0x0], $0xffff;
	v52 =	vperm.xlane v28, v14;
	v57 =	vadd.s32 v6, v53  }
0x1e8: {  	v30 =	vadd.f32 v31, v30;
	v31 =	vperm.xlane v29, v20;
	v35 =	vld.idx.msk [tilespmem:v54+s8+$0x0], $0xffff;
	v58 =	vadd.s32 v7, v45  }
0x1e9: {  	v54 =	vadd.s32 v5, v53;
	v41 =	vmul.f32 v41, v44;
	v56 =	vld.idx.msk [tilespmem:v61+s8+$0x0], $0xffff;
	v61 =	vmul.f32 v38, v49  }
0x1ea: {  	v59 =	vmul.f32 v63, v31;
	v32 =	vadd.f32 v32, v60;
	v60 =	vadd.s32 v6, v45  }
0x1eb: {  	v63 =	vadd.s32 v7, v50;
	v37 =	vadd.f32 v41, v37;
	v36 =	vadd.f32 v61, v36;
	v62 =	vld.idx.msk [tilespmem:v55+s8+$0x0], $0xffff  }
0x1ec: {  	v42 =	vadd.s32 v2, v53;
	v29 =	vadd.f32 v32, v30;
	v30 =	vadd.s32 v2, v48;
	v43 =	vld.idx.msk [tilespmem:v57+s8+$0x0], $0xffff  }
0x1ed: {  	v37 =	vmul.f32 v37, v44;
	v57 =	vadd.s32 v5, v48;
	v36 =	vmul.f32 v36, v49;
	v55 =	vld.idx.msk [tilespmem:v58+s8+$0x0], $0xffff  }
0x1ee: {  	v46 =	vld.idx.msk [tilespmem:v46+s8+$0x0], $0xffff;
	v32 =	vadd.f32 v59, v56;
	v59 =	vadd.s32 v5, v45;
	v58 =	vperm.xlane v27, v9  }
0x1ef: {  	v48 =	vperm.xlane v27, v12;
	v56 =	vadd.s32 v6, v50;
	v33 =	vadd.f32 v37, v33;
	v39 =	vld.idx.msk [tilespmem:v60+s8+$0x0], $0xffff  }
0x1f0: {  	v41 =	vld.idx.msk [tilespmem:v63+s8+$0x0], $0xffff;
	v45 =	vadd.s32 v2, v45;
	v63 =	vperm.xlane v28, v1;
	v38 =	vmul.f32 v62, v58  }
0x1f1: {  	v34 =	vld.idx.msk [tilespmem:v54+s8+$0x0], $0xffff;
	v35 =	vadd.f32 v36, v35;
	v33 =	vmul.f32 v33, v44;
	v44 =	vperm.xlane v28, v12  }
0x1f2: {  	v42 =	vld.idx.msk [tilespmem:v42+s8+$0x0], $0xffff;
	v60 =	vadd.s32 v5, v50;
	v38 =	vadd.f32 v38, v43;
	v37 =	vmul.f32 v55, v51  }
0x1f3: {  	v35 =	vmul.f32 v35, v49;
	v33 =	vadd.f32 v33, v40;
	v40 =	vld.idx.msk [tilespmem:v59+s8+$0x0], $0xffff;
	v62 =	vadd.s32 v7, v44  }
0x1f4: {  	v50 =	vadd.s32 v2, v50;
	v61 =	vld.idx.msk [tilespmem:v56+s8+$0x0], $0xffff;
	v38 =	vmul.f32 v38, v58;
	v37 =	vadd.f32 v37, v39  }
0x1f5: {  	v49 =	vperm.xlane v27, v11;
	v35 =	vadd.f32 v35, v46;
	v46 =	vld.idx.msk [tilespmem:v57+s8+$0x0], $0xffff;
	v55 =	vadd.s32 v6, v44  }
0x1f6: {  	v56 =	vadd.s32 v7, v63;
	v57 =	vld.idx.msk [tilespmem:v45+s8+$0x0], $0xffff;
	v34 =	vadd.f32 v38, v34;
	v37 =	vmul.f32 v37, v51  }
0x1f7: {  	v41 =	vmul.f32 v41, v49;
	v36 =	vld.idx.msk [tilespmem:v60+s8+$0x0], $0xffff;
	v60 =	vadd.s32 v6, v63;
	v33 =	vadd.f32 $0.0e+00, v33  }
0x1f8: {  	v39 =	vld.idx.msk [tilespmem:v62+s8+$0x0], $0xffff;
	v34 =	vmul.f32 v34, v58;
	v58 =	vadd.s32 v2, v44;
	v37 =	vadd.f32 v37, v40  }
0x1f9: {  	v41 =	vadd.f32 v41, v61;
	v61 =	vld.idx.msk [tilespmem:v50+s8+$0x0], $0xffff;
	v62 =	vperm.xlane v28, v13;
	v44 =	vadd.s32 v5, v44  }
0x1fa: {  	v54 =	vadd.s32 v5, v63;
	v33 =	vadd.f32 v35, v33;
	v38 =	vld.idx.msk [tilespmem:v55+s8+$0x0], $0xffff;
	v37 =	vmul.f32 v37, v51  }
0x1fb: {  	v43 =	vld.idx.msk [tilespmem:v56+s8+$0x0], $0xffff;
	v59 =	vmul.f32 v41, v49;
	v55 =	vadd.s32 v7, v62;
	v51 =	vperm.xlane v28, v0  }
0x1fc: {  	v41 =	vld.idx.msk [tilespmem:v60+s8+$0x0], $0xffff;
	v34 =	vadd.f32 v34, v42;
	v56 =	vadd.f32 v37, v57;
	v57 =	vadd.s32 v6, v62  }
0x1fd: {  	v36 =	vadd.f32 v59, v36;
	v39 =	vmul.f32 v39, v48;
	v35 =	vld.idx.msk [tilespmem:v58+s8+$0x0], $0xffff;
	v58 =	vadd.s32 v7, v51  }
0x1fe: {  	v32 =	vmul.f32 v32, v31;
	v33 =	vadd.f32 v34, v33;
	v34 =	vld.idx.msk [tilespmem:v44+s8+$0x0], $0xffff;
	v44 =	vperm.xlane v27, v1  }
0x1ff: {  	v59 =	vadd.s32 v2, v63;
	v36 =	vmul.f32 v36, v49;
	v38 =	vadd.f32 v39, v38;
	v39 =	vld.idx.msk [tilespmem:v54+s8+$0x0], $0xffff  }
0x200: {  	v53 =	vperm.xlane v28, v15;
	v60 =	vadd.s32 v6, v51;
	v50 =	vld.idx.msk [tilespmem:v55+s8+$0x0], $0xffff;
	v63 =	vmul.f32 v43, v44  }
0x201: {  	v32 =	vadd.f32 v32, v46;
	v36 =	vadd.f32 v36, v61;
	v61 =	vadd.s32 v5, v62;
	v37 =	vld.idx.msk [tilespmem:v57+s8+$0x0], $0xffff  }
0x202: {  	v33 =	vadd.f32 v56, v33;
	v56 =	vadd.s32 v2, v62;
	v41 =	vadd.f32 v63, v41;
	v62 =	vld.idx.msk [tilespmem:v58+s8+$0x0], $0xffff  }
0x203: {  	v30 =	vld.idx.msk [tilespmem:v30+s8+$0x0], $0xffff;
	v31 =	vmul.f32 v32, v31;
	v54 =	vperm.xlane v27, v0;
	v63 =	vadd.s32 v7, v52  }
0x204: {  	v38 =	vmul.f32 v38, v48;
	v57 =	vld.idx.msk [tilespmem:v59+s8+$0x0], $0xffff;
	v58 =	vadd.s32 v5, v51;
	v59 =	vmul.f32 v41, v44  }
0x205: {  	v55 =	vadd.s32 v7, v53;
	v33 =	vadd.f32 v36, v33;
	v40 =	vld.idx.msk [tilespmem:v60+s8+$0x0], $0xffff;
	v50 =	vmul.f32 v50, v47  }
0x206: {  	v60 =	vadd.s32 v6, v52;
	v34 =	vadd.f32 v38, v34;
	v36 =	vld.idx.msk [tilespmem:v61+s8+$0x0], $0xffff;
	v38 =	vadd.f32 v59, v39  }
0x207: {  	v43 =	vld.idx.msk [tilespmem:v56+s8+$0x0], $0xffff;
	v37 =	vadd.f32 v50, v37;
	v42 =	vmul.f32 v62, v54;
	v62 =	vadd.s32 v6, v53  }
0x208: {  	v46 =	vperm.xlane v28, v18;
	v31 =	vadd.f32 v31, v30;
	v34 =	vmul.f32 v34, v48;
	v45 =	vld.idx.msk [tilespmem:v63+s8+$0x0], $0xffff  }
0x209: {  	v61 =	vadd.s32 v2, v51;
	v63 =	vmul.f32 v38, v44;
	v38 =	vld.idx.msk [tilespmem:v58+s8+$0x0], $0xffff;
	v50 =	vmul.f32 v37, v47  }
0x20a: {  	v30 =	vperm.xlane v28, v20;
	v49 =	vadd.s32 v5, v52;
	v48 =	vperm.xlane v27, v17;
	v58 =	vld.idx.msk [tilespmem:v55+s8+$0x0], $0xffff  }
0x20b: {  	v34 =	vadd.f32 v34, v35;
	v56 =	vld.idx.msk [tilespmem:v60+s8+$0x0], $0xffff;
	v35 =	vperm.xlane v27, v14;
	v32 =	vadd.f32 v50, v36  }
0x20c: {  	v60 =	vadd.s32 v5, v53;
	v55 =	vadd.s32 v2, v53;
	v51 =	vadd.f32 v42, v40;
	v62 =	vld.idx.msk [tilespmem:v62+s8+$0x0], $0xffff  }
0x20d: {  	v33 =	vadd.f32 v34, v33;
	v32 =	vmul.f32 v32, v47;
	v47 =	vperm.xlane v27, v15  }
0x20e: {  	v59 =	vld.idx.msk [tilespmem:v61+s8+$0x0], $0xffff;
	v57 =	vadd.f32 v63, v57;
	v37 =	vmul.f32 v51, v54;
	v61 =	vmul.f32 v45, v35  }
0x20f: {  	v63 =	vadd.s32 v2, v52;
	v45 =	vperm.xlane v28, v16;
	v41 =	vmul.f32 v58, v47  }
0x210: {  	v53 =	vadd.s32 v7, v46;
	v37 =	vadd.f32 v37, v38;
	v34 =	vadd.f32 v61, v56;
	v56 =	vld [tilespmem:s14+$0x180]  }
0x211: {  	v44 =	vld.idx.msk [tilespmem:v49+s8+$0x0], $0xffff;
	v52 =	vadd.s32 v7, v45;
	v58 =	vadd.f32 v41, v62;
	v41 =	vperm.xlane v28, v17  }
0x212: {  	v33 =	vadd.f32 v57, v33;
	v57 =	vadd.s32 v6, v45;
	v37 =	vmul.f32 v37, v54  }
0x213: {  	v40 =	vperm.xlane v28, v19;
	v39 =	vld.idx.msk [tilespmem:v60+s8+$0x0], $0xffff;
	v60 =	vadd.s32 v5, v45;
	v61 =	vadd.s32 v7, v41  }
0x214: {  	v32 =	vadd.f32 v32, v43;
	v34 =	vmul.f32 v34, v35;
	v36 =	vadd.f32 v37, v59;
	v59 =	vld.idx.msk [tilespmem:v63+s8+$0x0], $0xffff  }
0x215: {  	v51 =	vperm.xlane v27, v18;
	v62 =	vld.idx.msk [tilespmem:v55+s8+$0x0], $0xffff;
	v43 =	vmax.f32 v56, $-1.000000000e+00;
	v63 =	vadd.s32 v6, v41  }
0x216: {  	v32 =	vadd.f32 v32, v33;
	v34 =	vadd.f32 v34, v44;
	v38 =	vld.idx.msk [tilespmem:v52+s8+$0x0], $0xffff;
	v43 =	vmin.f32 v43, $1.000000000e+00  }
0x217: {  	v45 =	vadd.s32 v2, v45;
	v55 =	vadd.s32 v6, v46;
	v52 =	vld.idx.msk [tilespmem:v57+s8+$0x0], $0xffff;
	v43 =	vadd.f32 $1.000000000e+00, v43  }
0x218: {  	v33 =	vmul.f32 v58, v47;
	v34 =	vmul.f32 v34, v35;
	v32 =	vadd.f32 v36, v32;
	v44 =	vld.idx.msk [tilespmem:v61+s8+$0x0], $0xffff  }
0x219: {  	v54 =	vld.idx.msk [tilespmem:v60+s8+$0x0], $0xffff;
	v36 =	vperm.xlane v27, v16;
	v56 =	vadd.s32 v5, v41;
	v43 =	vmul.f32 $4.500000000e+00, v43  }
0x21a: {  	v60 =	vadd.s32 v5, v46;
	v33 =	vadd.f32 v33, v39;
	v34 =	vadd.f32 v34, v59;
	v57 =	vld.idx.msk [tilespmem:v63+s8+$0x0], $0xffff  }
0x21b: {  	v58 =	vld.idx.msk [tilespmem:v53+s8+$0x0], $0xffff;
	v38 =	vmul.f32 v38, v36;
	v59 =	vtrunc.f32 v43;
	v61 =	vadd.s32 v7, v40  }
0x21c: {  	v41 =	vadd.s32 v2, v41;
	v33 =	vmul.f32 v33, v47;
	v47 =	vcvt.f32.s32 v59  }
0x21d: {  	v42 =	vld.idx.msk [tilespmem:v55+s8+$0x0], $0xffff;
	v32 =	vadd.f32 v34, v32;
	v38 =	vadd.f32 v38, v52;
	v44 =	vmul.f32 v44, v48  }
0x21e: {  	v63 =	vadd.s32 v6, v40;
	v34 =	vadd.f32 v33, v62;
	v62 =	vld.idx.msk [tilespmem:v56+s8+$0x0], $0xffff;
	vm15 =	vlt.s32 v47, $0x8  }
0x21f: {  	v45 =	vld.idx.msk [tilespmem:v45+s8+$0x0], $0xffff;
	v38 =	vmul.f32 v38, v36;
	v47 =	vnsel vm15, $0x8, v47;
	v35 =	vadd.f32 v44, v57  }
0x220: {  	v39 =	vmul.f32 v58, v51;
	v56 =	vadd.s32 v2, v46;
	v55 =	vshll.u32 v47, $0x6;
	v58 =	vld.idx.msk [tilespmem:v61+s8+$0x0], $0xffff  }
0x221: {  	v37 =	vadd.f32 v38, v54;
	v33 =	vadd.s32 v3, v55;
	v57 =	vld.idx.msk [tilespmem:v60+s8+$0x0], $0xffff;
	v35 =	vmul.f32 v35, v48  }
0x222: {  	v39 =	vadd.f32 v39, v42;
	v61 =	vadd.s32 v5, v40;
	v46 =	vperm.xlane v33, v4  }
0x223: {  	v49 =	vperm.xlane v27, v19;
	v36 =	vmul.f32 v37, v36;
	v60 =	vld.idx.msk [tilespmem:v41+s8+$0x0], $0xffff;
	v35 =	vadd.f32 v35, v62  }
0x224: {  	v50 =	vperm.xlane v33, v8;
	v52 =	vadd.s32 v7, v46;
	v62 =	vmul.f32 v39, v51  }
0x225: {  	v32 =	vadd.f32 v34, v32;
	v63 =	vld.idx.msk [tilespmem:v63+s8+$0x0], $0xffff;
	v59 =	vadd.f32 v36, v45;
	v53 =	vmul.f32 v35, v48  }
0x226: {  	v54 =	vld.idx.msk [tilespmem:v56+s8+$0x0], $0xffff;
	v56 =	vadd.f32 v62, v57;
	v57 =	vmul.f32 v58, v49;
	v58 =	vadd.s32 v7, v50  }
0x227: {  	v28 =	vadd.f32 v31, v29;
	v55 =	vadd.s32 v6, v46;
	v41 =	vld.idx.msk [tilespmem:v61+s8+$0x0], $0xffff;
	v61 =	vadd.s32 v6, v50  }
0x228: {  	v32 =	vadd.f32 v59, v32;
	v59 =	vcvt.s32.f32 v47;
	v36 =	vadd.f32 v53, v60  }
0x229: {  	v27 =	vperm.xlane v27, v20;
	v62 =	vadd.s32 v7, v30;
	v37 =	vmul.f32 v56, v51;
	v60 =	vld.idx.msk [tilespmem:v52+s8+$0x0], $0xffff  }
0x22a: {  	v52 =	vadd.s32 v5, v46;
	v36 =	vadd.f32 v36, v32;
	v32 =	vsub.f32 v43, v59  }
0x22b: {  	v48 =	vperm.xlane v33, v9;
	v38 =	vadd.f32 v57, v63;
	v53 =	vadd.s32 v6, v30;
	v42 =	vld.idx.msk [tilespmem:v58+s8+$0x0], $0xffff  }
0x22c: {  	v35 =	vld.idx.msk [tilespmem:v55+s8+$0x0], $0xffff;
	v34 =	vadd.f32 v37, v54;
	v54 =	vadd.s32 v5, v50;
	v47 =	vperm.xlane v32, v4  }
0x22d: {  	v57 =	vld.idx.msk [tilespmem:v61+s8+$0x0], $0xffff;
	v61 =	vadd.s32 v6, v48;
	v58 =	vadd.s32 v7, v48;
	v45 =	vperm.xlane v32, v8  }
0x22e: {  	v59 =	vld.idx.msk [tilespmem:v62+s8+$0x0], $0xffff;
	v56 =	vmul.f32 v60, v47;
	v60 =	vadd.s32 v2, v46;
	v46 =	vperm.xlane v33, v10  }
0x22f: {  	v40 =	vadd.s32 v2, v40;
	v51 =	vperm.xlane v33, v12;
	v63 =	vmul.f32 v38, v49;
	v38 =	vld.idx.msk [tilespmem:v52+s8+$0x0], $0xffff  }
0x230: {  	v29 =	vadd.f32 v34, v36;
	v43 =	vld.idx.msk [tilespmem:v53+s8+$0x0], $0xffff;
	v42 =	vmul.f32 v42, v45;
	v62 =	vadd.s32 v7, v46  }
0x231: {  	v50 =	vadd.s32 v2, v50;
	v55 =	vadd.f32 v63, v41;
	v63 =	vld.idx.msk [tilespmem:v54+s8+$0x0], $0xffff;
	v35 =	vadd.f32 v56, v35  }
0x232: {  	v37 =	vld.idx.msk [tilespmem:v58+s8+$0x0], $0xffff;
	v56 =	vadd.f32 v42, v57;
	v57 =	vadd.s32 v6, v46;
	v42 =	vperm.xlane v33, v11  }
0x233: {  	v36 =	vld.idx.msk [tilespmem:v61+s8+$0x0], $0xffff;
	v31 =	vmul.f32 v55, v49;
	v41 =	vmul.f32 v59, v27;
	v58 =	vadd.s32 v5, v48  }
0x234: {  	v35 =	vmul.f32 v35, v47;
	v44 =	vld.idx.msk [tilespmem:v60+s8+$0x0], $0xffff;
	v59 =	vmul.f32 v56, v45;
	v60 =	vadd.s32 v7, v42  }
0x235: {  	v61 =	vadd.s32 v5, v46;
	v34 =	vadd.f32 v41, v43;
	v41 =	vperm.xlane v32, v9;
	v49 =	vld.idx.msk [tilespmem:v62+s8+$0x0], $0xffff  }
0x236: {  	v35 =	vadd.f32 v35, v38;
	v62 =	vld.idx.msk [tilespmem:v50+s8+$0x0], $0xffff;
	v38 =	vadd.f32 v59, v63;
	v63 =	vadd.s32 v6, v42  }
0x237: {  	v53 =	vperm.xlane v32, v10;
	v48 =	vadd.s32 v2, v48;
	v37 =	vmul.f32 v37, v41;
	v39 =	vld.idx.msk [tilespmem:v57+s8+$0x0], $0xffff  }
0x238: {  	v55 =	vperm.xlane v33, v1;
	v46 =	vadd.s32 v2, v46;
	v35 =	vmul.f32 v35, v47;
	v57 =	vld.idx.msk [tilespmem:v58+s8+$0x0], $0xffff  }
0x239: {  	v36 =	vadd.f32 v37, v36;
	v38 =	vmul.f32 v38, v45;
	v58 =	vld.idx.msk [tilespmem:v60+s8+$0x0], $0xffff;
	v60 =	vadd.s32 v7, v51  }
0x23a: {  	v43 =	vld.idx.msk [tilespmem:v61+s8+$0x0], $0xffff;
	v61 =	vadd.s32 v5, v42;
	v35 =	vadd.f32 v35, v44;
	v49 =	vmul.f32 v49, v53  }
0x23b: {  	v36 =	vmul.f32 v36, v41;
	v38 =	vadd.f32 v38, v62;
	v62 =	vld.idx.msk [tilespmem:v63+s8+$0x0], $0xffff;
	v63 =	vadd.s32 v6, v51  }
0x23c: {  	v48 =	vld.idx.msk [tilespmem:v48+s8+$0x0], $0xffff;
	v42 =	vadd.s32 v2, v42;
	v39 =	vadd.f32 v49, v39;
	v49 =	vperm.xlane v32, v11  }
0x23d: {  	v54 =	vadd.s32 v5, v51;
	v35 =	vadd.f32 $0.0e+00, v35;
	v59 =	vadd.f32 v36, v57;
	v36 =	vld.idx.msk [tilespmem:v46+s8+$0x0], $0xffff  }
0x23e: {  	v45 =	vadd.s32 v7, v55;
	v39 =	vmul.f32 v39, v53;
	v37 =	vmul.f32 v58, v49;
	v44 =	vld.idx.msk [tilespmem:v60+s8+$0x0], $0xffff  }
0x23f: {  	v56 =	vperm.xlane v33, v13;
	v38 =	vadd.f32 v38, v35;
	v46 =	vld.idx.msk [tilespmem:v61+s8+$0x0], $0xffff;
	v41 =	vmul.f32 v59, v41  }
0x240: {  	v61 =	vadd.s32 v6, v55;
	v39 =	vadd.f32 v39, v43;
	v37 =	vadd.f32 v37, v62;
	v60 =	vld.idx.msk [tilespmem:v63+s8+$0x0], $0xffff  }
0x241: {  	v42 =	vld.idx.msk [tilespmem:v42+s8+$0x0], $0xffff;
	v62 =	vadd.f32 v41, v48;
	v41 =	vperm.xlane v32, v12;
	v63 =	vadd.s32 v7, v56  }
0x242: {  	v35 =	vld.idx.msk [tilespmem:v40+s8+$0x0], $0xffff;
	v57 =	vadd.s32 v2, v51;
	v58 =	vadd.s32 v6, v56;
	v39 =	vmul.f32 v39, v53  }
0x243: {  	v45 =	vld.idx.msk [tilespmem:v45+s8+$0x0], $0xffff;
	v59 =	vadd.s32 v5, v55;
	v37 =	vmul.f32 v37, v49;
	v44 =	vmul.f32 v44, v41  }
0x244: {  	v53 =	vperm.xlane v33, v0;
	v38 =	vadd.f32 v62, v38;
	v36 =	vadd.f32 v39, v36;
	v39 =	vld.idx.msk [tilespmem:v54+s8+$0x0], $0xffff  }
0x245: {  	v37 =	vadd.f32 v37, v46;
	v54 =	vadd.s32 v2, v55;
	v43 =	vadd.f32 v44, v60;
	v60 =	vld.idx.msk [tilespmem:v61+s8+$0x0], $0xffff  }
0x246: {  	v62 =	vadd.s32 v5, v56;
	v61 =	vadd.s32 v7, v53;
	v48 =	vld.idx.msk [tilespmem:v63+s8+$0x0], $0xffff  }
0x247: {  	v51 =	vld.idx.msk [tilespmem:v58+s8+$0x0], $0xffff;
	v36 =	vadd.f32 v36, v38;
	v38 =	vperm.xlane v32, v1;
	v37 =	vmul.f32 v37, v49  }
0x248: {  	v40 =	vld.idx.msk [tilespmem:v59+s8+$0x0], $0xffff;
	v55 =	vperm.xlane v33, v14;
	v63 =	vadd.s32 v6, v53;
	v43 =	vmul.f32 v43, v41  }
0x249: {  	v49 =	vld.idx.msk [tilespmem:v57+s8+$0x0], $0xffff;
	v45 =	vmul.f32 v45, v38;
	v37 =	vadd.f32 v37, v42;
	v42 =	vperm.xlane v32, v13  }
0x24a: {  	v56 =	vadd.s32 v2, v56;
	v39 =	vadd.f32 v43, v39;
	v57 =	vld.idx.msk [tilespmem:v54+s8+$0x0], $0xffff;
	v54 =	vperm.xlane v33, v15  }
0x24b: {  	v58 =	vadd.f32 v45, v60;
	v44 =	vld.idx.msk [tilespmem:v61+s8+$0x0], $0xffff;
	v45 =	vadd.s32 v7, v55;
	v59 =	vmul.f32 v48, v42  }
0x24c: {  	v36 =	vadd.f32 v37, v36;
	v37 =	vld.idx.msk [tilespmem:v62+s8+$0x0], $0xffff;
	v60 =	vadd.s32 v5, v53;
	v39 =	vmul.f32 v39, v41  }
0x24d: {  	v62 =	vld.idx.msk [tilespmem:v63+s8+$0x0], $0xffff;
	v63 =	vadd.s32 v6, v55;
	v61 =	vmul.f32 v58, v38;
	v46 =	vadd.f32 v59, v51  }
0x24e: {  	v51 =	vperm.xlane v32, v0;
	v58 =	vadd.s32 v2, v53;
	v39 =	vadd.f32 v39, v49  }
0x24f: {  	v41 =	vld.idx.msk [tilespmem:v56+s8+$0x0], $0xffff;
	v59 =	vadd.s32 v7, v54;
	v40 =	vadd.f32 v61, v40;
	v46 =	vmul.f32 v46, v42  }
0x250: {  	v52 =	vadd.s32 v5, v30;
	v44 =	vmul.f32 v44, v51;
	v45 =	vld.idx.msk [tilespmem:v45+s8+$0x0], $0xffff;
	v36 =	vadd.f32 v39, v36  }
0x251: {  	v39 =	vld.idx.msk [tilespmem:v60+s8+$0x0], $0xffff;
	v38 =	vmul.f32 v40, v38;
	v40 =	vadd.s32 v5, v55;
	v37 =	vadd.f32 v46, v37  }
0x252: {  	v61 =	vperm.xlane v33, v16;
	v43 =	vadd.f32 v44, v62;
	v62 =	vld.idx.msk [tilespmem:v63+s8+$0x0], $0xffff;
	v63 =	vadd.s32 v6, v54  }
0x253: {  	v60 =	vadd.s32 v2, v55;
	v37 =	vmul.f32 v37, v42;
	v42 =	vld.idx.msk [tilespmem:v58+s8+$0x0], $0xffff  }
0x254: {  	v48 =	vperm.xlane v32, v14;
	v38 =	vadd.f32 v38, v57;
	v58 =	vld.idx.msk [tilespmem:v59+s8+$0x0], $0xffff;
	v59 =	vadd.s32 v7, v61  }
0x255: {  	v47 =	vld.idx.msk [tilespmem:v52+s8+$0x0], $0xffff;
	v56 =	vperm.xlane v33, v18;
	v57 =	vadd.s32 v2, v54;
	v43 =	vmul.f32 v43, v51  }
0x256: {  	v44 =	vadd.s32 v6, v61;
	v45 =	vmul.f32 v45, v48;
	v36 =	vadd.f32 v38, v36;
	v38 =	vld.idx.msk [tilespmem:v40+s8+$0x0], $0xffff  }
0x257: {  	v46 =	vperm.xlane v32, v15;
	v40 =	vadd.s32 v5, v54;
	v39 =	vadd.f32 v43, v39;
	v63 =	vld.idx.msk [tilespmem:v63+s8+$0x0], $0xffff  }
0x258: {  	v54 =	vperm.xlane v33, v17;
	v62 =	vadd.f32 v45, v62;
	v45 =	vld.idx.msk [tilespmem:v60+s8+$0x0], $0xffff;
	v60 =	vadd.s32 v2, v61  }
0x259: {  	v37 =	vadd.f32 v37, v41;
	v61 =	vadd.s32 v5, v61;
	v39 =	vmul.f32 v39, v51;
	v53 =	vld.idx.msk [tilespmem:v59+s8+$0x0], $0xffff  }
0x25a: {  	v49 =	vld.idx.msk [tilespmem:v57+s8+$0x0], $0xffff;
	v55 =	vadd.s32 v7, v54;
	v57 =	vperm.xlane v33, v19;
	v41 =	vmul.f32 v62, v48  }
0x25b: {  	v43 =	vadd.s32 v7, v56;
	v50 =	vmul.f32 v58, v46;
	v62 =	vadd.f32 v39, v42;
	v42 =	vld.idx.msk [tilespmem:v44+s8+$0x0], $0xffff  }
0x25c: {  	v44 =	vperm.xlane v32, v16;
	v58 =	vadd.s32 v7, v57;
	v39 =	vld.idx.msk [tilespmem:v40+s8+$0x0], $0xffff;
	v38 =	vadd.f32 v41, v38  }
0x25d: {  	v40 =	vadd.s32 v6, v54;
	v63 =	vadd.f32 v50, v63;
	v50 =	vld.idx.msk [tilespmem:v60+s8+$0x0], $0xffff  }
0x25e: {  	v60 =	vadd.s32 v5, v54;
	v38 =	vmul.f32 v38, v48;
	v48 =	vld.idx.msk [tilespmem:v61+s8+$0x0], $0xffff;
	v53 =	vmul.f32 v53, v44  }
0x25f: {  	v36 =	vadd.f32 v37, v36;
	v33 =	vperm.xlane v33, v20;
	v61 =	vadd.s32 v6, v56;
	v55 =	vld.idx.msk [tilespmem:v55+s8+$0x0], $0xffff  }
0x260: {  	v41 =	vmul.f32 v63, v46;
	v63 =	vadd.s32 v6, v57;
	v59 =	vadd.f32 v53, v42;
	v42 =	vld.idx.msk [tilespmem:v43+s8+$0x0], $0xffff  }
0x261: {  	v51 =	vadd.s32 v6, v33;
	v36 =	vadd.f32 v62, v36;
	v58 =	vld.idx.msk [tilespmem:v58+s8+$0x0], $0xffff  }
0x262: {  	v62 =	vadd.f32 v38, v45;
	v43 =	vadd.s32 v7, v33;
	v38 =	vld.idx.msk [tilespmem:v40+s8+$0x0], $0xffff;
	v39 =	vadd.f32 v41, v39  }
0x263: {  	v30 =	vadd.s32 v2, v30;
	v52 =	vadd.s32 v5, v56;
	v37 =	vperm.xlane v32, v17;
	v45 =	vld.idx.msk [tilespmem:v60+s8+$0x0], $0xffff  }
0x264: {  	v34 =	vmul.f32 v34, v27;
	v60 =	vadd.s32 v2, v54;
	v39 =	vmul.f32 v39, v46;
	v46 =	vld.idx.msk [tilespmem:v61+s8+$0x0], $0xffff  }
0x265: {  	v36 =	vadd.f32 v62, v36;
	v62 =	vadd.s32 v5, v57;
	v61 =	vmul.f32 v55, v37;
	v40 =	vld.idx.msk [tilespmem:v63+s8+$0x0], $0xffff  }
0x266: {  	v55 =	vperm.xlane v32, v18;
	v63 =	vadd.s32 v2, v56;
	v56 =	vld.idx.msk [tilespmem:v51+s8+$0x0], $0xffff;
	v39 =	vadd.f32 v39, v49  }
0x267: {  	v41 =	vmul.f32 v59, v44;
	v54 =	vadd.s32 v5, v33;
	v43 =	vld.idx.msk [tilespmem:v43+s8+$0x0], $0xffff;
	v38 =	vadd.f32 v61, v38  }
0x268: {  	v42 =	vmul.f32 v42, v55;
	v36 =	vadd.f32 v39, v36;
	v39 =	vld.idx.msk [tilespmem:v52+s8+$0x0], $0xffff;
	v52 =	vperm.xlane v32, v19  }
0x269: {  	v41 =	vadd.f32 v41, v48;
	v59 =	vld.idx.msk [tilespmem:v60+s8+$0x0], $0xffff;
	v60 =	vadd.s32 v2, v57;
	v38 =	vmul.f32 v38, v37  }
0x26a: {  	v32 =	vperm.xlane v32, v20;
	v42 =	vadd.f32 v42, v46;
	v61 =	vmul.f32 v58, v52  }
0x26b: {  	v33 =	vadd.s32 v2, v33;
	v41 =	vmul.f32 v41, v44;
	v62 =	vld.idx.msk [tilespmem:v62+s8+$0x0], $0xffff;
	v38 =	vadd.f32 v38, v45  }
0x26c: {  	v53 =	vld.idx.msk [tilespmem:v54+s8+$0x0], $0xffff;
	v42 =	vmul.f32 v42, v55;
	v43 =	vmul.f32 v43, v32;
	v40 =	vadd.f32 v61, v40  }
0x26d: {  	v34 =	vadd.f32 v34, v47;
	v41 =	vadd.f32 v41, v50;
	v63 =	vld.idx.msk [tilespmem:v63+s8+$0x0], $0xffff;
	v37 =	vmul.f32 v38, v37  }
0x26e: {  	v30 =	vld.idx.msk [tilespmem:v30+s8+$0x0], $0xffff;
	v50 =	vadd.f32 v42, v39;
	v54 =	vadd.f32 v43, v56;
	v40 =	vmul.f32 v40, v52  }
0x26f: {  	v22 =	vmul.f32 v22, v21;
	v36 =	vadd.f32 v41, v36;
	v56 =	vld.idx.msk [tilespmem:v60+s8+$0x0], $0xffff;
	v37 =	vadd.f32 v37, v59  }
0x270: {  	v38 =	vmul.f32 v50, v55;
	v42 =	vmul.f32 v54, v32;
	v40 =	vadd.f32 v40, v62  }
0x271: {  	v27 =	vmul.f32 v34, v27;
	v31 =	vadd.f32 v31, v35;
	v33 =	vld.idx.msk [tilespmem:v33+s8+$0x0], $0xffff;
	v36 =	vadd.f32 v37, v36  }
0x272: {  	v57 =	vadd.f32 v38, v63;
	v59 =	vadd.f32 v42, v53;
	v58 =	vmul.f32 v40, v52  }
0x273: {  	[tilespmem:s14+$0xFFFFFE00] =	vst v22;
	v23 =	vmul.f32 v23, v21;
	v27 =	vadd.f32 v27, v30;
	v22 =	vadd.f32 v31, v29  }
0x274: {  	v60 =	vadd.f32 v57, v36;
	v32 =	vmul.f32 v59, v32;
	v35 =	vadd.f32 v58, v56  }
0x275: {  	v24 =	vmul.f32 v24, v21;
	v22 =	vadd.f32 v27, v22  }
0x276: {  	s13 =	sadd.s32 $0x8, s13;
	[tilespmem:s14+$0xFFFFFE80] =	vst v23;
	v25 =	vmul.f32 v25, v21;
	v61 =	vadd.f32 v32, v33;
	v23 =	vadd.f32 v35, v60  }
0x277: {  	p0 =	slt.u32 s13, $0x1F8;
	[tilespmem:s14+$0xFFFFFF00] =	vst v24;
	v22 =	vmul.f32 v22, v21  }
.Ltmp0:
0x278: {  	[tilespmem:s14+$0xFFFFFF80] =	vst v25;
	v62 =	vmul.f32 v26, v21;
	v23 =	vadd.f32 v61, v23;
	(pc) =	sbr.rel @p0 .LBB2_2-.Ltmp0, $4  }
0x279: {  	[tilespmem:s14+$0x100] =	vst v22;
	v63 =	vmul.f32 v28, v21  }
0x27a: {  	[tilespmem:s14+$0x0] =	vst v62;
	v23 =	vmul.f32 v23, v21  }
0x27b: {  	[tilespmem:s14+$0x80] =	vst v63  }
0x27c: {  	[tilespmem:s14+$0x180] =	vst v23;
	s14 =	sadd.s32 $0x400, s14  }
0x27d: {  	s12 =	sadd.s32 $0x1, s12  }
0x27e: {  	p0 =	sne.s32 s12, s7  }
.Ltmp1:
0x27f: {  	_ = 	snop;
	(pc) =	sbr.rel @p0 .LBB2_1-.Ltmp1, $4  }
0x280: {  	[hbm4b:s6+s4] =	stream.linear.scatter [tilespmem:s4], [sflag:$0x2], $0x10000, $0x38;
	[tilespmem:$0x12480] =	vst v63  }
0x281: {  	_ =	swait.ge [sflag:s11], $0x10000  }
0x282: {  	[sflag:s11] =	ssyncset.done $0x0  }
0x283: {  	[sflag:s11] =	ssyncadd.s32 $0xFFFF0000  }
0x284: {  	_ =	sfence.sel $0x180000  }
0x285: {  	[bflag:$0x0] =	sbarrier.arrive $0xFFFF  }
0x286: {  	p0 =	sne.s32 s1, $0x0;
	_ =	strace $0x90000047  }
0x287: {  	s0 =	sadd.s32 @!p0 $0x100000, s0;
	[bflag:$0x2] =	sbarrier.arrive $0xFFFF  }
0x288: {  	[sflag:s0] =	ssyncadd.tile.s32 @!p0 $0x1;
	_ =	shalt  }
.Lfunc_end2:
_tile_overlayer_lowered:
.L_overlay_start_2:
0x289: {  	(tag) =	ssettag $0x2  }
0x28a: {  	s0 =	rddreg [dreg:$0x0];
	s2 =	stileid.u32  }
0x28b: {  	s1 =	rddreg [dreg:$0x1];
	p0 =	sne.s32 s2, $0x0  }
0x28c: {  	s3 =	rddreg [dreg:$0x2];
	[bflag:$0x3] =	sbarrier.arrive $0xFFFF;
	s2 =	simm.s32 @!p0 $0x1C02  }
0x28d: {  	[timem:s3], [sflag:s2] =	dma.local @!p0 [hbm:s0], s1  }
0x28e: {  	s0 =	simm.s32 @!p0 $0x2  }
0x28f: {  	_ =	swait.ge @!p0 [sflag:s0], s1  }
0x290: {  	s1 =	ssub.s32 @!p0 $0x0, s1;
	[sflag:s0] =	ssyncset.done @!p0 $0x0  }
0x291: {  	[sflag:s0] =	ssyncadd.s32 @!p0 s1  }
0x292: {  	[bflag:$0x3] =	sbarrier.arrive $0xFFFF  }
0x293: {  	_ =	shalt  }

</sc_bundles>
